<compile_context>
chip_gen: v7x
topology: tpu7x:2x2x1
jax: 0.10.2.dev20260603
libtpu: 0.0.44.dev20260713+nightly
codegen_flags: <defaults>
</compile_context>

<pallas_src>
import jax
import jax.numpy as jnp
from jax import lax
from jax.experimental import pallas as pl
from jax.experimental.pallas import tpu as pltpu
from jax.experimental.pallas import tpu_sc as plsc

N_NODES = 10000
D = 128
NUM_CORES = 2
NUM_SUBCORES = 16
NW = NUM_CORES * NUM_SUBCORES
CH = 128


def _sc_mesh():
    return plsc.VectorSubcoreMesh(core_axis_name="c", subcore_axis_name="s")



def _preproject(x, w_sr, w_a):
    rb = 2000

    def body(x_ref, wsr_ref, wa_ref, t0_ref, t1_ref, t2_ref, t3_ref, xa_ref):
        xb = x_ref[...]
        p = jnp.dot(xb, wsr_ref[...], preferred_element_type=jnp.float32)
        t0_ref[...] = p[:, :D]
        t1_ref[...] = p[:, D:2 * D]
        t2_ref[...] = p[:, 2 * D:3 * D]
        t3_ref[...] = p[:, 3 * D:]
        xa_ref[...] = jnp.dot(xb, wa_ref[...], preferred_element_type=jnp.float32)

    blk = pl.BlockSpec((rb, D), lambda i: (i, 0))
    outs = pl.pallas_call(
        body,
        grid=(N_NODES // rb,),
        in_specs=[
            pl.BlockSpec((rb, D), lambda i: (i, 0)),
            pl.BlockSpec((D, 4 * D), lambda i: (0, 0)),
            pl.BlockSpec((D, D), lambda i: (0, 0)),
        ],
        out_specs=[blk, blk, blk, blk, blk],
        out_shape=[jax.ShapeDtypeStruct((N_NODES, D), jnp.float32)] * 5,
    )(x, w_sr, w_a)
    return outs



def _gather_pair(table_s, table_r, sidx, ridx, n_edges):
    n_chunks = n_edges // CH
    n_base, n_rem = divmod(n_chunks, NW)

    def body(ts_h, tr_h, si_h, ri_h, os_h, or_h,
             si_v, ri_v, bs_v, br_v, sem1, sem2):
        wid = lax.axis_index("s") * NUM_CORES + lax.axis_index("c")
        n_mine = n_base + (wid < n_rem).astype(jnp.int32)

        def chunk(i, carry):
            off = (wid + i * NW) * CH
            pltpu.sync_copy(si_h.at[pl.ds(off, CH)], si_v)
            pltpu.sync_copy(ri_h.at[pl.ds(off, CH)], ri_v)
            c1 = pltpu.async_copy(ts_h.at[si_v], bs_v, sem1)
            c2 = pltpu.async_copy(tr_h.at[ri_v], br_v, sem2)
            c1.wait()
            c2.wait()
            pltpu.sync_copy(bs_v, os_h.at[pl.ds(off, CH)])
            pltpu.sync_copy(br_v, or_h.at[pl.ds(off, CH)])
            return carry

        lax.fori_loop(0, n_mine, chunk, None)

    kern = pl.kernel(
        body,
        out_type=(
            jax.ShapeDtypeStruct((n_edges, D), jnp.float32),
            jax.ShapeDtypeStruct((n_edges, D), jnp.float32),
        ),
        mesh=_sc_mesh(),
        scratch_types=[
            pltpu.VMEM((CH,), jnp.int32),
            pltpu.VMEM((CH,), jnp.int32),
            pltpu.VMEM((CH, D), jnp.float32),
            pltpu.VMEM((CH, D), jnp.float32),
            pltpu.SemaphoreType.DMA,
            pltpu.SemaphoreType.DMA,
        ],
    )
    return kern(table_s, table_r, sidx, ridx)



def _edge_mlp(gs, gr, ef, w1c, b1, w2, b2, w3, b3, g, be, wproj, n_edges, eb):
    def body(gs_ref, gr_ref, ef_ref, w1c_ref, b1_ref, w2_ref, b2_ref,
             w3_ref, b3_ref, g_ref, be_ref, wp_ref, oe_ref, op_ref):
        ef_b = ef_ref[...]
        h = (gs_ref[...] + gr_ref[...] + b1_ref[...]
             + jnp.dot(ef_b.astype(jnp.bfloat16), w1c_ref[...],
                       preferred_element_type=jnp.float32))
        h = jnp.maximum(h, 0.0)
        h = jnp.maximum(
            jnp.dot(h.astype(jnp.bfloat16), w2_ref[...],
                    preferred_element_type=jnp.float32) + b2_ref[...], 0.0)
        h = jnp.dot(h.astype(jnp.bfloat16), w3_ref[...],
                    preferred_element_type=jnp.float32) + b3_ref[...]
        mu = jnp.mean(h, axis=-1, keepdims=True)
        var = jnp.mean(jnp.square(h - mu), axis=-1, keepdims=True)
        y = (h - mu) / jnp.sqrt(var + 1e-5) * g_ref[...] + be_ref[...]
        oe_ref[...] = y + ef_b
        op_ref[...] = jnp.dot(y.astype(jnp.bfloat16), wp_ref[...],
                              preferred_element_type=jnp.float32)

    mat = lambda i: (0, 0)
    new_e, proj = pl.pallas_call(
        body,
        grid=(n_edges // eb,),
        in_specs=[
            pl.BlockSpec((eb, D), lambda i: (i, 0)),
            pl.BlockSpec((eb, D), lambda i: (i, 0)),
            pl.BlockSpec((eb, D), lambda i: (i, 0)),
            pl.BlockSpec((D, D), mat),
            pl.BlockSpec((1, D), mat),
            pl.BlockSpec((D, D), mat),
            pl.BlockSpec((1, D), mat),
            pl.BlockSpec((D, D), mat),
            pl.BlockSpec((1, D), mat),
            pl.BlockSpec((1, D), mat),
            pl.BlockSpec((1, D), mat),
            pl.BlockSpec((D, D), mat),
        ],
        out_specs=[
            pl.BlockSpec((eb, D), lambda i: (i, 0)),
            pl.BlockSpec((eb, D), lambda i: (i, 0)),
        ],
        out_shape=[
            jax.ShapeDtypeStruct((n_edges, D), jnp.float32),
            jax.ShapeDtypeStruct((n_edges, D), jnp.float32),
        ],
    )(gs, gr, ef, w1c, b1, w2, b2, w3, b3, g, be, wproj)
    return new_e, proj



def _scatter_partials(pm, im, pw, iw, em, ew):
    em_h = em // NUM_CORES
    ew_h = ew // NUM_CORES
    em_t = em_h // NUM_SUBCORES
    ew_t = ew_h // NUM_SUBCORES
    m_full, m_tail = divmod(em_t, CH)
    w_full, w_tail = divmod(ew_t, CH)
    rows_t = 640
    rows_last = N_NODES - (NUM_SUBCORES - 1) * rows_t

    def body(pm_h, im_h, pw_h, iw_h, zero_h, out_h,
             buf_v, idx_v, mt_v, wt_v, acc_s, sem):
        cid = lax.axis_index("c")
        sid = lax.axis_index("s")

        r0 = sid * rows_t

        @pl.when(sid < NUM_SUBCORES - 1)
        def _():
            pltpu.sync_copy(zero_h.at[pl.ds(r0, rows_t)],
                            acc_s.at[pl.ds(r0, rows_t)])

        @pl.when(sid == NUM_SUBCORES - 1)
        def _():
            pltpu.sync_copy(zero_h.at[pl.ds(r0, rows_last)],
                            acc_s.at[pl.ds(r0, rows_last)])

        plsc.subcore_barrier()

        def scatter_chunks(p_h, i_h, base, nfull, tail, tidx_v):
            def chunk(i, carry):
                off = base + i * CH
                pltpu.sync_copy(i_h.at[pl.ds(off, CH)], idx_v)
                pltpu.sync_copy(p_h.at[pl.ds(off, CH)], buf_v)
                pltpu.sync_copy(buf_v, acc_s.at[idx_v], add=True)
                return carry

            lax.fori_loop(0, nfull, chunk, None)
            if tail:
                off = base + nfull * CH
                pltpu.sync_copy(i_h.at[pl.ds(off, tail)], tidx_v)
                pltpu.sync_copy(p_h.at[pl.ds(off, tail)], buf_v.at[pl.ds(0, tail)])
                pltpu.sync_copy(buf_v.at[pl.ds(0, tail)], acc_s.at[tidx_v], add=True)

        scatter_chunks(pm_h, im_h, cid * em_h + sid * em_t, m_full, m_tail, mt_v)
        scatter_chunks(pw_h, iw_h, cid * ew_h + sid * ew_t, w_full, w_tail, wt_v)
        plsc.subcore_barrier()

        @pl.when(sid < NUM_SUBCORES - 1)
        def _():
            pltpu.sync_copy(acc_s.at[pl.ds(r0, rows_t)],
                            out_h.at[cid].at[pl.ds(r0, rows_t)])

        @pl.when(sid == NUM_SUBCORES - 1)
        def _():
            pltpu.sync_copy(acc_s.at[pl.ds(r0, rows_last)],
                            out_h.at[cid].at[pl.ds(r0, rows_last)])

    kern = pl.kernel(
        body,
        out_type=jax.ShapeDtypeStruct((NUM_CORES, N_NODES, D), jnp.float32),
        mesh=_sc_mesh(),
        scratch_types=[
            pltpu.VMEM((CH, D), jnp.float32),
            pltpu.VMEM((CH,), jnp.int32),
            pltpu.VMEM((max(m_tail, 8),), jnp.int32),
            pltpu.VMEM((max(w_tail, 8),), jnp.int32),
            pltpu.VMEM_SHARED((N_NODES, D), jnp.float32),
            pltpu.SemaphoreType.DMA,
        ],
    )
    zero = jnp.zeros((N_NODES, D), jnp.float32)
    return kern(pm, im, pw, iw, zero)



def _node_mlp(x, xa, parts, b1, w2, b2, w3, b3, g, be):
    rb = 2000

    def body(x_ref, xa_ref, p0_ref, p1_ref, b1_ref, w2_ref, b2_ref,
             w3_ref, b3_ref, g_ref, be_ref, o_ref):
        h = xa_ref[...] + p0_ref[0] + p1_ref[0] + b1_ref[...]
        h = jnp.maximum(h, 0.0)
        h = jnp.maximum(
            jnp.dot(h, w2_ref[...], preferred_element_type=jnp.float32)
            + b2_ref[...], 0.0)
        h = jnp.dot(h, w3_ref[...], preferred_element_type=jnp.float32) + b3_ref[...]
        mu = jnp.mean(h, axis=-1, keepdims=True)
        var = jnp.mean(jnp.square(h - mu), axis=-1, keepdims=True)
        y = (h - mu) / jnp.sqrt(var + 1e-5) * g_ref[...] + be_ref[...]
        o_ref[...] = y + x_ref[...]

    mat = lambda i: (0, 0)
    return pl.pallas_call(
        body,
        grid=(N_NODES // rb,),
        in_specs=[
            pl.BlockSpec((rb, D), lambda i: (i, 0)),
            pl.BlockSpec((rb, D), lambda i: (i, 0)),
            pl.BlockSpec((1, rb, D), lambda i: (0, i, 0)),
            pl.BlockSpec((1, rb, D), lambda i: (1, i, 0)),
            pl.BlockSpec((1, D), mat),
            pl.BlockSpec((D, D), mat),
            pl.BlockSpec((1, D), mat),
            pl.BlockSpec((D, D), mat),
            pl.BlockSpec((1, D), mat),
            pl.BlockSpec((1, D), mat),
            pl.BlockSpec((1, D), mat),
        ],
        out_specs=pl.BlockSpec((rb, D), lambda i: (i, 0)),
        out_shape=jax.ShapeDtypeStruct((N_NODES, D), jnp.float32),
    )(x, xa, parts, parts, b1, w2, b2, w3, b3, g, be)



def kernel(x, mesh_senders, mesh_receivers, mesh_edge_feat,
           world_senders, world_receivers, world_edge_feat,
           me_W1, me_b1, me_W2, me_b2, me_W3, me_b3, me_g, me_be,
           we_W1, we_b1, we_W2, we_b2, we_W3, we_b3, we_g, we_be,
           nm_W1, nm_b1, nm_W2, nm_b2, nm_W3, nm_b3, nm_g, nm_be):
    em = mesh_senders.shape[0]
    ew = world_senders.shape[0]
    row = lambda v: v.reshape(1, D)

    bf = lambda w: w.astype(jnp.bfloat16)
    w_sr = jnp.concatenate(
        [me_W1[:D], me_W1[D:2 * D], we_W1[:D], we_W1[D:2 * D]], axis=1)
    t_me_s, t_me_r, t_we_s, t_we_r, xa = _preproject(x, w_sr, nm_W1[:D])

    gs_m, gr_m = _gather_pair(t_me_s, t_me_r, mesh_senders, mesh_receivers, em)
    gs_w, gr_w = _gather_pair(t_we_s, t_we_r, world_senders, world_receivers, ew)

    new_mesh, proj_m = _edge_mlp(
        gs_m, gr_m, mesh_edge_feat, bf(me_W1[2 * D:]), row(me_b1), bf(me_W2),
        row(me_b2), bf(me_W3), row(me_b3), row(me_g), row(me_be),
        bf(nm_W1[D:2 * D]), em, 640)
    new_world, proj_w = _edge_mlp(
        gs_w, gr_w, world_edge_feat, bf(we_W1[2 * D:]), row(we_b1), bf(we_W2),
        row(we_b2), bf(we_W3), row(we_b3), row(we_g), row(we_be),
        bf(nm_W1[2 * D:]), ew, 640)

    parts = _scatter_partials(proj_m, mesh_receivers, proj_w, world_receivers,
                              em, ew)

    new_x = _node_mlp(x, xa, parts, row(nm_b1), nm_W2, row(nm_b2), nm_W3,
                      row(nm_b3), row(nm_g), row(nm_be))
    return (new_x, new_mesh, new_world)

# --- scband reference (transcript-rebuilt; emitter-appended) ---
"""Pipeline reference for scband-graph-net-block-22643067585177 (READ-ONLY COPY).

The authoritative reference and input builder live on the scoring server;
editing this copy changes nothing except your own understanding.
"""

import jax, jax.numpy as jnp
import numpy as np

N = 10000
D = 128
EM = 320000
EW = 160000
DH = 128


def _mlp(x, W1, b1, W2, b2, W3, b3, g, be):
    h = jax.nn.relu(x @ W1 + b1)
    h = jax.nn.relu(h @ W2 + b2)
    h = h @ W3 + b3
    mu = jnp.mean(h, axis=-1, keepdims=True)
    var = jnp.var(h, axis=-1, keepdims=True)
    return (h - mu) / jnp.sqrt(var + 1e-5) * g + be


def _init_mlp(key, din, dh, dout, prefix):
    ks = jax.random.split(key, 3)
    p = {}
    p[prefix + '_W1'] = jax.random.normal(ks[0], (din, dh), jnp.float32) / np.sqrt(din)
    p[prefix + '_b1'] = jnp.zeros((dh,), jnp.float32)
    p[prefix + '_W2'] = jax.random.normal(ks[1], (dh, dh), jnp.float32) / np.sqrt(dh)
    p[prefix + '_b2'] = jnp.zeros((dh,), jnp.float32)
    p[prefix + '_W3'] = jax.random.normal(ks[2], (dh, dout), jnp.float32) / np.sqrt(dh)
    p[prefix + '_b3'] = jnp.zeros((dout,), jnp.float32)
    p[prefix + '_g'] = jnp.ones((dout,), jnp.float32)
    p[prefix + '_be'] = jnp.zeros((dout,), jnp.float32)
    return p


def setup_inputs(seed: int = 0):
    key = jax.random.key(seed)
    ks = jax.random.split(key, 10)
    inp = {}
    inp['x'] = jax.random.normal(ks[0], (N, D), jnp.float32)
    inp['mesh_senders'] = jax.random.randint(ks[1], (EM,), 0, N)
    inp['mesh_receivers'] = jax.random.randint(ks[2], (EM,), 0, N)
    inp['mesh_edge_feat'] = jax.random.normal(ks[3], (EM, D), jnp.float32)
    inp['world_senders'] = jax.random.randint(ks[4], (EW,), 0, N)
    inp['world_receivers'] = jax.random.randint(ks[5], (EW,), 0, N)
    inp['world_edge_feat'] = jax.random.normal(ks[6], (EW, D), jnp.float32)
    inp.update(_init_mlp(ks[7], 3 * D, DH, D, 'me'))
    inp.update(_init_mlp(ks[8], 3 * D, DH, D, 'we'))
    inp.update(_init_mlp(ks[9], 3 * D, DH, D, 'nm'))
    return inp


def reference(x, mesh_senders, mesh_receivers, mesh_edge_feat,
              world_senders, world_receivers, world_edge_feat,
              me_W1, me_b1, me_W2, me_b2, me_W3, me_b3, me_g, me_be,
              we_W1, we_b1, we_W2, we_b2, we_W3, we_b3, we_g, we_be,
              nm_W1, nm_b1, nm_W2, nm_b2, nm_W3, nm_b3, nm_g, nm_be):
    # edge update: gather sender/receiver node features, concat with edge features, apply edge MLP
    mesh_in = jnp.concatenate([jnp.take(x, mesh_senders, axis=0),
                               jnp.take(x, mesh_receivers, axis=0),
                               mesh_edge_feat], axis=-1)
    mesh_new = _mlp(mesh_in, me_W1, me_b1, me_W2, me_b2, me_W3, me_b3, me_g, me_be)
    world_in = jnp.concatenate([jnp.take(x, world_senders, axis=0),
                                jnp.take(x, world_receivers, axis=0),
                                world_edge_feat], axis=-1)
    world_new = _mlp(world_in, we_W1, we_b1, we_W2, we_b2, we_W3, we_b3, we_g, we_be)
    # node update: unsorted_segment_sum per edge set over receivers
    agg_mesh = jax.ops.segment_sum(mesh_new, mesh_receivers, num_segments=x.shape[0])
    agg_world = jax.ops.segment_sum(world_new, world_receivers, num_segments=x.shape[0])
    node_in = jnp.concatenate([x, agg_mesh, agg_world], axis=-1)
    node_new = _mlp(node_in, nm_W1, nm_b1, nm_W2, nm_b2, nm_W3, nm_b3, nm_g, nm_be)
    # residual connections
    new_x = node_new + x
    new_mesh = mesh_new + mesh_edge_feat
    new_world = world_new + world_edge_feat
    return (new_x, new_mesh, new_world)

if __name__ == "__main__":
    import jax
    _d = setup_inputs()
    print(jax.jit(kernel)(*tuple(_d.values())))

</pallas_src>

<mosaic_0001>
#map = affine_map<(d0, d1) -> (0, 0)>
#map1 = affine_map<(d0, d1) -> (0)>
module attributes {stable_mosaic.version = 14 : i64} {
  func.func @body(%arg0: i32, %arg1: i32, %arg2: memref<10000x128xf32, #tpu.memory_space<hbm>>, %arg3: memref<10000x128xf32, #tpu.memory_space<hbm>>, %arg4: memref<320000xi32, #tpu.memory_space<hbm>>, %arg5: memref<320000xi32, #tpu.memory_space<hbm>>, %arg6: memref<320000x128xf32, #tpu.memory_space<hbm>>, %arg7: memref<320000x128xf32, #tpu.memory_space<hbm>>, %arg8: memref<128xi32, #tpu.memory_space<vmem>>, %arg9: memref<128xi32, #tpu.memory_space<vmem>>, %arg10: memref<128x128xf32, #tpu.memory_space<vmem>>, %arg11: memref<128x128xf32, #tpu.memory_space<vmem>>, %arg12: memref<!tpu.dma_semaphore, #tpu.memory_space<semaphore_mem>>, %arg13: memref<!tpu.dma_semaphore, #tpu.memory_space<semaphore_mem>>) attributes {dimension_semantics = [#tpu.dimension_semantics<core_parallel>, #tpu.dimension_semantics<subcore_parallel>], iteration_bounds = array<i64: 2, 16>, scalar_prefetch = 0 : i64, scratch_operands = 6 : i64, tpu.core_type = #tpu.core_type<sc_vector_subcore>, window_params = [{transform_indices = #map}, {transform_indices = #map}, {transform_indices = #map1}, {transform_indices = #map1}, {transform_indices = #map}, {transform_indices = #map}]} {
    %mul3A = arith.constant 2 : i32
    %mul3A_0 = arith.muli %arg1, %mul3A : i32
    %add3A = arith.addi %mul3A_0, %arg0 : i32
    %lt3A = arith.constant 4 : i32
    %lt3A_1 = arith.cmpi slt, %add3A, %lt3A : i32
    %convert_element_type3A = arith.extui %lt3A_1 : i1 to i32
    %add3A_2 = arith.constant 78 : i32
    %add3A_3 = arith.addi %add3A_2, %convert_element_type3A : i32
    %while3A = arith.constant 0 : i32
    %while3A_4 = arith.subi %add3A_3, %while3A : i32
    %while3A_5 = arith.addi %while3A, %while3A_4 : i32
    %while3A_6 = arith.constant 1 : i32
    %while3A_7 = arith.divsi %while3A_4, %while3A_6 : i32
    %while3A_8 = arith.muli %while3A_7, %while3A_6 : i32
    %while3A_9 = arith.addi %while3A, %while3A_8 : i32
    %while3A_10 = arith.constant 1 : i32
    scf.for %while3A_12 = %while3A to %while3A_9 step %while3A_10  : i32 {
      %mul3A_13 = arith.constant 32 : i32
      %mul3A_14 = arith.muli %while3A_12, %mul3A_13 : i32
      %add3A_15 = arith.addi %add3A, %mul3A_14 : i32
      %mul3A_16 = arith.constant 128 : i32
      %mul3A_17 = arith.muli %add3A_15, %mul3A_16 : i32
      "tpu.region"() ({
        %run_scoped3A = tpu.sem_alloc : memref<!tpu.dma_semaphore, #tpu.memory_space<semaphore_mem>>
        %dma_start3A_28 = tpu.memref_slice %arg4[%mul3A_17] : memref<320000xi32, #tpu.memory_space<hbm>> -> memref<128xi32, #tpu.memory_space<hbm>>
        %dma_start3A_29 = tpu.memref_slice %arg4[%mul3A_17] : memref<320000xi32, #tpu.memory_space<hbm>> -> memref<128xi32, #tpu.memory_space<hbm>>
        tpu.enqueue_dma source(%dma_start3A_29 : memref<128xi32, #tpu.memory_space<hbm>>) target(%arg8 : memref<128xi32, #tpu.memory_space<vmem>>) target_semaphore(%run_scoped3A : memref<!tpu.dma_semaphore, #tpu.memory_space<semaphore_mem>>)
        %dma_wait3A_30 = tpu.memref_slice %arg4[%mul3A_17] : memref<320000xi32, #tpu.memory_space<hbm>> -> memref<128xi32, #tpu.memory_space<hbm>>
        %dma_wait3A_31 = tpu.memref_slice %arg4[%mul3A_17] : memref<320000xi32, #tpu.memory_space<hbm>> -> memref<128xi32, #tpu.memory_space<hbm>>
        tpu.wait_dma2 semaphore(%run_scoped3A : memref<!tpu.dma_semaphore, #tpu.memory_space<semaphore_mem>>) src(%dma_wait3A_31 : memref<128xi32, #tpu.memory_space<hbm>>) dst(%arg8 : memref<128xi32, #tpu.memory_space<vmem>>)
        tpu.yield
      }) : () -> ()
      "tpu.region"() ({
        %run_scoped3A = tpu.sem_alloc : memref<!tpu.dma_semaphore, #tpu.memory_space<semaphore_mem>>
        %dma_start3A_28 = tpu.memref_slice %arg5[%mul3A_17] : memref<320000xi32, #tpu.memory_space<hbm>> -> memref<128xi32, #tpu.memory_space<hbm>>
        %dma_start3A_29 = tpu.memref_slice %arg5[%mul3A_17] : memref<320000xi32, #tpu.memory_space<hbm>> -> memref<128xi32, #tpu.memory_space<hbm>>
        tpu.enqueue_dma source(%dma_start3A_29 : memref<128xi32, #tpu.memory_space<hbm>>) target(%arg9 : memref<128xi32, #tpu.memory_space<vmem>>) target_semaphore(%run_scoped3A : memref<!tpu.dma_semaphore, #tpu.memory_space<semaphore_mem>>)
        %dma_wait3A_30 = tpu.memref_slice %arg5[%mul3A_17] : memref<320000xi32, #tpu.memory_space<hbm>> -> memref<128xi32, #tpu.memory_space<hbm>>
        %dma_wait3A_31 = tpu.memref_slice %arg5[%mul3A_17] : memref<320000xi32, #tpu.memory_space<hbm>> -> memref<128xi32, #tpu.memory_space<hbm>>
        tpu.wait_dma2 semaphore(%run_scoped3A : memref<!tpu.dma_semaphore, #tpu.memory_space<semaphore_mem>>) src(%dma_wait3A_31 : memref<128xi32, #tpu.memory_space<hbm>>) dst(%arg9 : memref<128xi32, #tpu.memory_space<vmem>>)
        tpu.yield
      }) : () -> ()
      %dma_start3A = arith.constant 0 : i32
      %dma_start3A_18 = arith.constant 0 : i32
      %dma_start3A_19 = tpu.memref_slice %arg2[%dma_start3A, %dma_start3A_18] : memref<10000x128xf32, #tpu.memory_space<hbm>> -> memref<10000x128xf32, #tpu.memory_space<hbm>>
      tpu.enqueue_indirect_dma source(%dma_start3A_19 : memref<10000x128xf32, #tpu.memory_space<hbm>>) target(%arg10 : memref<128x128xf32, #tpu.memory_space<vmem>>) offsets(%arg8 : memref<128xi32, #tpu.memory_space<vmem>>) semaphore(%arg12 : memref<!tpu.dma_semaphore, #tpu.memory_space<semaphore_mem>>)
      %dma_start3A_20 = arith.constant 0 : i32
      %dma_start3A_21 = arith.constant 0 : i32
      %dma_start3A_22 = tpu.memref_slice %arg3[%dma_start3A_20, %dma_start3A_21] : memref<10000x128xf32, #tpu.memory_space<hbm>> -> memref<10000x128xf32, #tpu.memory_space<hbm>>
      tpu.enqueue_indirect_dma source(%dma_start3A_22 : memref<10000x128xf32, #tpu.memory_space<hbm>>) target(%arg11 : memref<128x128xf32, #tpu.memory_space<vmem>>) offsets(%arg9 : memref<128xi32, #tpu.memory_space<vmem>>) semaphore(%arg13 : memref<!tpu.dma_semaphore, #tpu.memory_space<semaphore_mem>>)
      %dma_wait3A = arith.constant 0 : i32
      %dma_wait3A_23 = arith.constant 0 : i32
      %dma_wait3A_24 = tpu.memref_slice %arg2[%dma_wait3A, %dma_wait3A_23] : memref<10000x128xf32, #tpu.memory_space<hbm>> -> memref<10000x128xf32, #tpu.memory_space<hbm>>
      tpu.wait_indirect_dma semaphore(%arg12 : memref<!tpu.dma_semaphore, #tpu.memory_space<semaphore_mem>>) src(%dma_wait3A_24 : memref<10000x128xf32, #tpu.memory_space<hbm>>) dst(%arg10 : memref<128x128xf32, #tpu.memory_space<vmem>>)
      %dma_wait3A_25 = arith.constant 0 : i32
      %dma_wait3A_26 = arith.constant 0 : i32
      %dma_wait3A_27 = tpu.memref_slice %arg3[%dma_wait3A_25, %dma_wait3A_26] : memref<10000x128xf32, #tpu.memory_space<hbm>> -> memref<10000x128xf32, #tpu.memory_space<hbm>>
      tpu.wait_indirect_dma semaphore(%arg13 : memref<!tpu.dma_semaphore, #tpu.memory_space<semaphore_mem>>) src(%dma_wait3A_27 : memref<10000x128xf32, #tpu.memory_space<hbm>>) dst(%arg11 : memref<128x128xf32, #tpu.memory_space<vmem>>)
      "tpu.region"() ({
        %run_scoped3A = tpu.sem_alloc : memref<!tpu.dma_semaphore, #tpu.memory_space<semaphore_mem>>
        %dma_start3A_28 = arith.constant 0 : i32
        %dma_start3A_29 = tpu.memref_slice %arg6[%mul3A_17, %dma_start3A_28] : memref<320000x128xf32, #tpu.memory_space<hbm>> -> memref<128x128xf32, #tpu.memory_space<hbm>>
        %dma_start3A_30 = arith.constant 0 : i32
        %dma_start3A_31 = tpu.memref_slice %arg6[%mul3A_17, %dma_start3A_30] : memref<320000x128xf32, #tpu.memory_space<hbm>> -> memref<128x128xf32, #tpu.memory_space<hbm>>
        tpu.enqueue_dma source(%arg10 : memref<128x128xf32, #tpu.memory_space<vmem>>) target(%dma_start3A_31 : memref<128x128xf32, #tpu.memory_space<hbm>>) target_semaphore(%run_scoped3A : memref<!tpu.dma_semaphore, #tpu.memory_space<semaphore_mem>>)
        %dma_wait3A_32 = arith.constant 0 : i32
        %dma_wait3A_33 = tpu.memref_slice %arg6[%mul3A_17, %dma_wait3A_32] : memref<320000x128xf32, #tpu.memory_space<hbm>> -> memref<128x128xf32, #tpu.memory_space<hbm>>
        %dma_wait3A_34 = arith.constant 0 : i32
        %dma_wait3A_35 = tpu.memref_slice %arg6[%mul3A_17, %dma_wait3A_34] : memref<320000x128xf32, #tpu.memory_space<hbm>> -> memref<128x128xf32, #tpu.memory_space<hbm>>
        tpu.wait_dma2 semaphore(%run_scoped3A : memref<!tpu.dma_semaphore, #tpu.memory_space<semaphore_mem>>) src(%arg10 : memref<128x128xf32, #tpu.memory_space<vmem>>) dst(%dma_wait3A_35 : memref<128x128xf32, #tpu.memory_space<hbm>>)
        tpu.yield
      }) : () -> ()
      "tpu.region"() ({
        %run_scoped3A = tpu.sem_alloc : memref<!tpu.dma_semaphore, #tpu.memory_space<semaphore_mem>>
        %dma_start3A_28 = arith.constant 0 : i32
        %dma_start3A_29 = tpu.memref_slice %arg7[%mul3A_17, %dma_start3A_28] : memref<320000x128xf32, #tpu.memory_space<hbm>> -> memref<128x128xf32, #tpu.memory_space<hbm>>
        %dma_start3A_30 = arith.constant 0 : i32
        %dma_start3A_31 = tpu.memref_slice %arg7[%mul3A_17, %dma_start3A_30] : memref<320000x128xf32, #tpu.memory_space<hbm>> -> memref<128x128xf32, #tpu.memory_space<hbm>>
        tpu.enqueue_dma source(%arg11 : memref<128x128xf32, #tpu.memory_space<vmem>>) target(%dma_start3A_31 : memref<128x128xf32, #tpu.memory_space<hbm>>) target_semaphore(%run_scoped3A : memref<!tpu.dma_semaphore, #tpu.memory_space<semaphore_mem>>)
        %dma_wait3A_32 = arith.constant 0 : i32
        %dma_wait3A_33 = tpu.memref_slice %arg7[%mul3A_17, %dma_wait3A_32] : memref<320000x128xf32, #tpu.memory_space<hbm>> -> memref<128x128xf32, #tpu.memory_space<hbm>>
        %dma_wait3A_34 = arith.constant 0 : i32
        %dma_wait3A_35 = tpu.memref_slice %arg7[%mul3A_17, %dma_wait3A_34] : memref<320000x128xf32, #tpu.memory_space<hbm>> -> memref<128x128xf32, #tpu.memory_space<hbm>>
        tpu.wait_dma2 semaphore(%run_scoped3A : memref<!tpu.dma_semaphore, #tpu.memory_space<semaphore_mem>>) src(%arg11 : memref<128x128xf32, #tpu.memory_space<vmem>>) dst(%dma_wait3A_35 : memref<128x128xf32, #tpu.memory_space<hbm>>)
        tpu.yield
      }) : () -> ()
    }
    %while3A_11 = arith.constant 1 : i32
    scf.for %while3A_12 = %while3A_9 to %while3A_5 step %while3A_11  : i32 {
      %mul3A_13 = arith.constant 32 : i32
      %mul3A_14 = arith.muli %while3A_12, %mul3A_13 : i32
      %add3A_15 = arith.addi %add3A, %mul3A_14 : i32
      %mul3A_16 = arith.constant 128 : i32
      %mul3A_17 = arith.muli %add3A_15, %mul3A_16 : i32
      "tpu.region"() ({
        %run_scoped3A = tpu.sem_alloc : memref<!tpu.dma_semaphore, #tpu.memory_space<semaphore_mem>>
        %dma_start3A_28 = tpu.memref_slice %arg4[%mul3A_17] : memref<320000xi32, #tpu.memory_space<hbm>> -> memref<128xi32, #tpu.memory_space<hbm>>
        %dma_start3A_29 = tpu.memref_slice %arg4[%mul3A_17] : memref<320000xi32, #tpu.memory_space<hbm>> -> memref<128xi32, #tpu.memory_space<hbm>>
        tpu.enqueue_dma source(%dma_start3A_29 : memref<128xi32, #tpu.memory_space<hbm>>) target(%arg8 : memref<128xi32, #tpu.memory_space<vmem>>) target_semaphore(%run_scoped3A : memref<!tpu.dma_semaphore, #tpu.memory_space<semaphore_mem>>)
        %dma_wait3A_30 = tpu.memref_slice %arg4[%mul3A_17] : memref<320000xi32, #tpu.memory_space<hbm>> -> memref<128xi32, #tpu.memory_space<hbm>>
        %dma_wait3A_31 = tpu.memref_slice %arg4[%mul3A_17] : memref<320000xi32, #tpu.memory_space<hbm>> -> memref<128xi32, #tpu.memory_space<hbm>>
        tpu.wait_dma2 semaphore(%run_scoped3A : memref<!tpu.dma_semaphore, #tpu.memory_space<semaphore_mem>>) src(%dma_wait3A_31 : memref<128xi32, #tpu.memory_space<hbm>>) dst(%arg8 : memref<128xi32, #tpu.memory_space<vmem>>)
        tpu.yield
      }) : () -> ()
      "tpu.region"() ({
        %run_scoped3A = tpu.sem_alloc : memref<!tpu.dma_semaphore, #tpu.memory_space<semaphore_mem>>
        %dma_start3A_28 = tpu.memref_slice %arg5[%mul3A_17] : memref<320000xi32, #tpu.memory_space<hbm>> -> memref<128xi32, #tpu.memory_space<hbm>>
        %dma_start3A_29 = tpu.memref_slice %arg5[%mul3A_17] : memref<320000xi32, #tpu.memory_space<hbm>> -> memref<128xi32, #tpu.memory_space<hbm>>
        tpu.enqueue_dma source(%dma_start3A_29 : memref<128xi32, #tpu.memory_space<hbm>>) target(%arg9 : memref<128xi32, #tpu.memory_space<vmem>>) target_semaphore(%run_scoped3A : memref<!tpu.dma_semaphore, #tpu.memory_space<semaphore_mem>>)
        %dma_wait3A_30 = tpu.memref_slice %arg5[%mul3A_17] : memref<320000xi32, #tpu.memory_space<hbm>> -> memref<128xi32, #tpu.memory_space<hbm>>
        %dma_wait3A_31 = tpu.memref_slice %arg5[%mul3A_17] : memref<320000xi32, #tpu.memory_space<hbm>> -> memref<128xi32, #tpu.memory_space<hbm>>
        tpu.wait_dma2 semaphore(%run_scoped3A : memref<!tpu.dma_semaphore, #tpu.memory_space<semaphore_mem>>) src(%dma_wait3A_31 : memref<128xi32, #tpu.memory_space<hbm>>) dst(%arg9 : memref<128xi32, #tpu.memory_space<vmem>>)
        tpu.yield
      }) : () -> ()
      %dma_start3A = arith.constant 0 : i32
      %dma_start3A_18 = arith.constant 0 : i32
      %dma_start3A_19 = tpu.memref_slice %arg2[%dma_start3A, %dma_start3A_18] : memref<10000x128xf32, #tpu.memory_space<hbm>> -> memref<10000x128xf32, #tpu.memory_space<hbm>>
      tpu.enqueue_indirect_dma source(%dma_start3A_19 : memref<10000x128xf32, #tpu.memory_space<hbm>>) target(%arg10 : memref<128x128xf32, #tpu.memory_space<vmem>>) offsets(%arg8 : memref<128xi32, #tpu.memory_space<vmem>>) semaphore(%arg12 : memref<!tpu.dma_semaphore, #tpu.memory_space<semaphore_mem>>)
      %dma_start3A_20 = arith.constant 0 : i32
      %dma_start3A_21 = arith.constant 0 : i32
      %dma_start3A_22 = tpu.memref_slice %arg3[%dma_start3A_20, %dma_start3A_21] : memref<10000x128xf32, #tpu.memory_space<hbm>> -> memref<10000x128xf32, #tpu.memory_space<hbm>>
      tpu.enqueue_indirect_dma source(%dma_start3A_22 : memref<10000x128xf32, #tpu.memory_space<hbm>>) target(%arg11 : memref<128x128xf32, #tpu.memory_space<vmem>>) offsets(%arg9 : memref<128xi32, #tpu.memory_space<vmem>>) semaphore(%arg13 : memref<!tpu.dma_semaphore, #tpu.memory_space<semaphore_mem>>)
      %dma_wait3A = arith.constant 0 : i32
      %dma_wait3A_23 = arith.constant 0 : i32
      %dma_wait3A_24 = tpu.memref_slice %arg2[%dma_wait3A, %dma_wait3A_23] : memref<10000x128xf32, #tpu.memory_space<hbm>> -> memref<10000x128xf32, #tpu.memory_space<hbm>>
      tpu.wait_indirect_dma semaphore(%arg12 : memref<!tpu.dma_semaphore, #tpu.memory_space<semaphore_mem>>) src(%dma_wait3A_24 : memref<10000x128xf32, #tpu.memory_space<hbm>>) dst(%arg10 : memref<128x128xf32, #tpu.memory_space<vmem>>)
      %dma_wait3A_25 = arith.constant 0 : i32
      %dma_wait3A_26 = arith.constant 0 : i32
      %dma_wait3A_27 = tpu.memref_slice %arg3[%dma_wait3A_25, %dma_wait3A_26] : memref<10000x128xf32, #tpu.memory_space<hbm>> -> memref<10000x128xf32, #tpu.memory_space<hbm>>
      tpu.wait_indirect_dma semaphore(%arg13 : memref<!tpu.dma_semaphore, #tpu.memory_space<semaphore_mem>>) src(%dma_wait3A_27 : memref<10000x128xf32, #tpu.memory_space<hbm>>) dst(%arg11 : memref<128x128xf32, #tpu.memory_space<vmem>>)
      "tpu.region"() ({
        %run_scoped3A = tpu.sem_alloc : memref<!tpu.dma_semaphore, #tpu.memory_space<semaphore_mem>>
        %dma_start3A_28 = arith.constant 0 : i32
        %dma_start3A_29 = tpu.memref_slice %arg6[%mul3A_17, %dma_start3A_28] : memref<320000x128xf32, #tpu.memory_space<hbm>> -> memref<128x128xf32, #tpu.memory_space<hbm>>
        %dma_start3A_30 = arith.constant 0 : i32
        %dma_start3A_31 = tpu.memref_slice %arg6[%mul3A_17, %dma_start3A_30] : memref<320000x128xf32, #tpu.memory_space<hbm>> -> memref<128x128xf32, #tpu.memory_space<hbm>>
        tpu.enqueue_dma source(%arg10 : memref<128x128xf32, #tpu.memory_space<vmem>>) target(%dma_start3A_31 : memref<128x128xf32, #tpu.memory_space<hbm>>) target_semaphore(%run_scoped3A : memref<!tpu.dma_semaphore, #tpu.memory_space<semaphore_mem>>)
        %dma_wait3A_32 = arith.constant 0 : i32
        %dma_wait3A_33 = tpu.memref_slice %arg6[%mul3A_17, %dma_wait3A_32] : memref<320000x128xf32, #tpu.memory_space<hbm>> -> memref<128x128xf32, #tpu.memory_space<hbm>>
        %dma_wait3A_34 = arith.constant 0 : i32
        %dma_wait3A_35 = tpu.memref_slice %arg6[%mul3A_17, %dma_wait3A_34] : memref<320000x128xf32, #tpu.memory_space<hbm>> -> memref<128x128xf32, #tpu.memory_space<hbm>>
        tpu.wait_dma2 semaphore(%run_scoped3A : memref<!tpu.dma_semaphore, #tpu.memory_space<semaphore_mem>>) src(%arg10 : memref<128x128xf32, #tpu.memory_space<vmem>>) dst(%dma_wait3A_35 : memref<128x128xf32, #tpu.memory_space<hbm>>)
        tpu.yield
      }) : () -> ()
      "tpu.region"() ({
        %run_scoped3A = tpu.sem_alloc : memref<!tpu.dma_semaphore, #tpu.memory_space<semaphore_mem>>
        %dma_start3A_28 = arith.constant 0 : i32
        %dma_start3A_29 = tpu.memref_slice %arg7[%mul3A_17, %dma_start3A_28] : memref<320000x128xf32, #tpu.memory_space<hbm>> -> memref<128x128xf32, #tpu.memory_space<hbm>>
        %dma_start3A_30 = arith.constant 0 : i32
        %dma_start3A_31 = tpu.memref_slice %arg7[%mul3A_17, %dma_start3A_30] : memref<320000x128xf32, #tpu.memory_space<hbm>> -> memref<128x128xf32, #tpu.memory_space<hbm>>
        tpu.enqueue_dma source(%arg11 : memref<128x128xf32, #tpu.memory_space<vmem>>) target(%dma_start3A_31 : memref<128x128xf32, #tpu.memory_space<hbm>>) target_semaphore(%run_scoped3A : memref<!tpu.dma_semaphore, #tpu.memory_space<semaphore_mem>>)
        %dma_wait3A_32 = arith.constant 0 : i32
        %dma_wait3A_33 = tpu.memref_slice %arg7[%mul3A_17, %dma_wait3A_32] : memref<320000x128xf32, #tpu.memory_space<hbm>> -> memref<128x128xf32, #tpu.memory_space<hbm>>
        %dma_wait3A_34 = arith.constant 0 : i32
        %dma_wait3A_35 = tpu.memref_slice %arg7[%mul3A_17, %dma_wait3A_34] : memref<320000x128xf32, #tpu.memory_space<hbm>> -> memref<128x128xf32, #tpu.memory_space<hbm>>
        tpu.wait_dma2 semaphore(%run_scoped3A : memref<!tpu.dma_semaphore, #tpu.memory_space<semaphore_mem>>) src(%arg11 : memref<128x128xf32, #tpu.memory_space<vmem>>) dst(%dma_wait3A_35 : memref<128x128xf32, #tpu.memory_space<hbm>>)
        tpu.yield
      }) : () -> ()
    }
    return
  }
}

#map = affine_map<(d0, d1) -> (0, 0)>
#map1 = affine_map<(d0, d1) -> (0)>
#map2 = affine_map<(d0, d1) -> (0, 0, 0)>
module attributes {stable_mosaic.version = 14 : i64} {
  func.func @body(%arg0: i32, %arg1: i32, %arg2: memref<320000x128xf32, #tpu.memory_space<hbm>>, %arg3: memref<320000xi32, #tpu.memory_space<hbm>>, %arg4: memref<160000x128xf32, #tpu.memory_space<hbm>>, %arg5: memref<160000xi32, #tpu.memory_space<hbm>>, %arg6: memref<10000x128xf32, #tpu.memory_space<hbm>>, %arg7: memref<2x10000x128xf32, #tpu.memory_space<hbm>>, %arg8: memref<128x128xf32, #tpu.memory_space<vmem>>, %arg9: memref<128xi32, #tpu.memory_space<vmem>>, %arg10: memref<16xi32, #tpu.memory_space<vmem>>, %arg11: memref<8xi32, #tpu.memory_space<vmem>>, %arg12: memref<10000x128xf32, #tpu.memory_space<vmem_shared>>, %arg13: memref<!tpu.dma_semaphore, #tpu.memory_space<semaphore_mem>>) attributes {dimension_semantics = [#tpu.dimension_semantics<core_parallel>, #tpu.dimension_semantics<subcore_parallel>], iteration_bounds = array<i64: 2, 16>, scalar_prefetch = 0 : i64, scratch_operands = 6 : i64, tpu.core_type = #tpu.core_type<sc_vector_subcore>, window_params = [{transform_indices = #map}, {transform_indices = #map1}, {transform_indices = #map}, {transform_indices = #map1}, {transform_indices = #map}, {transform_indices = #map2}]} {
    %mul3A = arith.constant 640 : i32
    %mul3A_0 = arith.muli %arg1, %mul3A : i32
    %lt3A = arith.constant 15 : i32
    %lt3A_1 = arith.cmpi slt, %arg1, %lt3A : i32
    %convert_element_type3A = arith.extui %lt3A_1 : i1 to i32
    %cond3A = arith.constant 0 : i32
    %cond3A_2 = arith.cmpi ne, %convert_element_type3A, %cond3A : i32
    scf.if %cond3A_2 {
      "tpu.region"() ({
        %run_scoped3A = tpu.sem_alloc : memref<!tpu.dma_semaphore, #tpu.memory_space<semaphore_mem>>
        %dma_start3A = arith.constant 0 : i32
        %dma_start3A_40 = tpu.memref_slice %arg12[%mul3A_0, %dma_start3A] : memref<10000x128xf32, #tpu.memory_space<vmem_shared>> -> memref<640x128xf32, #tpu.memory_space<vmem_shared>>
        %dma_start3A_41 = arith.constant 0 : i32
        %dma_start3A_42 = tpu.memref_slice %arg6[%mul3A_0, %dma_start3A_41] : memref<10000x128xf32, #tpu.memory_space<hbm>> -> memref<640x128xf32, #tpu.memory_space<hbm>>
        tpu.enqueue_dma source(%dma_start3A_42 : memref<640x128xf32, #tpu.memory_space<hbm>>) target(%dma_start3A_40 : memref<640x128xf32, #tpu.memory_space<vmem_shared>>) target_semaphore(%run_scoped3A : memref<!tpu.dma_semaphore, #tpu.memory_space<semaphore_mem>>)
        %dma_wait3A = arith.constant 0 : i32
        %dma_wait3A_43 = tpu.memref_slice %arg12[%mul3A_0, %dma_wait3A] : memref<10000x128xf32, #tpu.memory_space<vmem_shared>> -> memref<640x128xf32, #tpu.memory_space<vmem_shared>>
        %dma_wait3A_44 = arith.constant 0 : i32
        %dma_wait3A_45 = tpu.memref_slice %arg6[%mul3A_0, %dma_wait3A_44] : memref<10000x128xf32, #tpu.memory_space<hbm>> -> memref<640x128xf32, #tpu.memory_space<hbm>>
        tpu.wait_dma2 semaphore(%run_scoped3A : memref<!tpu.dma_semaphore, #tpu.memory_space<semaphore_mem>>) src(%dma_wait3A_45 : memref<640x128xf32, #tpu.memory_space<hbm>>) dst(%dma_wait3A_43 : memref<640x128xf32, #tpu.memory_space<vmem_shared>>)
        tpu.yield
      }) : () -> ()
    } else {
    }
    %eq3A = arith.constant 15 : i32
    %eq3A_3 = arith.cmpi eq, %arg1, %eq3A : i32
    %convert_element_type3A_4 = arith.extui %eq3A_3 : i1 to i32
    %cond3A_5 = arith.constant 0 : i32
    %cond3A_6 = arith.cmpi ne, %convert_element_type3A_4, %cond3A_5 : i32
    scf.if %cond3A_6 {
      "tpu.region"() ({
        %run_scoped3A = tpu.sem_alloc : memref<!tpu.dma_semaphore, #tpu.memory_space<semaphore_mem>>
        %dma_start3A = arith.constant 0 : i32
        %dma_start3A_40 = tpu.memref_slice %arg12[%mul3A_0, %dma_start3A] : memref<10000x128xf32, #tpu.memory_space<vmem_shared>> -> memref<400x128xf32, #tpu.memory_space<vmem_shared>>
        %dma_start3A_41 = arith.constant 0 : i32
        %dma_start3A_42 = tpu.memref_slice %arg6[%mul3A_0, %dma_start3A_41] : memref<10000x128xf32, #tpu.memory_space<hbm>> -> memref<400x128xf32, #tpu.memory_space<hbm>>
        tpu.enqueue_dma source(%dma_start3A_42 : memref<400x128xf32, #tpu.memory_space<hbm>>) target(%dma_start3A_40 : memref<400x128xf32, #tpu.memory_space<vmem_shared>>) target_semaphore(%run_scoped3A : memref<!tpu.dma_semaphore, #tpu.memory_space<semaphore_mem>>)
        %dma_wait3A = arith.constant 0 : i32
        %dma_wait3A_43 = tpu.memref_slice %arg12[%mul3A_0, %dma_wait3A] : memref<10000x128xf32, #tpu.memory_space<vmem_shared>> -> memref<400x128xf32, #tpu.memory_space<vmem_shared>>
        %dma_wait3A_44 = arith.constant 0 : i32
        %dma_wait3A_45 = tpu.memref_slice %arg6[%mul3A_0, %dma_wait3A_44] : memref<10000x128xf32, #tpu.memory_space<hbm>> -> memref<400x128xf32, #tpu.memory_space<hbm>>
        tpu.wait_dma2 semaphore(%run_scoped3A : memref<!tpu.dma_semaphore, #tpu.memory_space<semaphore_mem>>) src(%dma_wait3A_45 : memref<400x128xf32, #tpu.memory_space<hbm>>) dst(%dma_wait3A_43 : memref<400x128xf32, #tpu.memory_space<vmem_shared>>)
        tpu.yield
      }) : () -> ()
    } else {
    }
    %barrier3A = arith.constant 0 : index
    tpu.barrier barrier_id(%barrier3A)
    %mul3A_7 = arith.constant 160000 : i32
    %mul3A_8 = arith.muli %arg0, %mul3A_7 : i32
    %mul3A_9 = arith.constant 10000 : i32
    %mul3A_10 = arith.muli %arg1, %mul3A_9 : i32
    %add3A = arith.addi %mul3A_8, %mul3A_10 : i32
    %scan3A = arith.constant 0 : i32
    %scan3A_11 = arith.constant 78 : i32
    %scan3A_12 = arith.addi %scan3A, %scan3A_11 : i32
    %scan3A_13 = arith.constant 1 : i32
    scf.for %scan3A_40 = %scan3A to %scan3A_12 step %scan3A_13  : i32 {
      %mul3A_41 = arith.constant 128 : i32
      %mul3A_42 = arith.muli %scan3A_40, %mul3A_41 : i32
      %add3A_43 = arith.addi %add3A, %mul3A_42 : i32
      "tpu.region"() ({
        %run_scoped3A = tpu.sem_alloc : memref<!tpu.dma_semaphore, #tpu.memory_space<semaphore_mem>>
        %dma_start3A = tpu.memref_slice %arg3[%add3A_43] : memref<320000xi32, #tpu.memory_space<hbm>> -> memref<128xi32, #tpu.memory_space<hbm>>
        %dma_start3A_44 = tpu.memref_slice %arg3[%add3A_43] : memref<320000xi32, #tpu.memory_space<hbm>> -> memref<128xi32, #tpu.memory_space<hbm>>
        tpu.enqueue_dma source(%dma_start3A_44 : memref<128xi32, #tpu.memory_space<hbm>>) target(%arg9 : memref<128xi32, #tpu.memory_space<vmem>>) target_semaphore(%run_scoped3A : memref<!tpu.dma_semaphore, #tpu.memory_space<semaphore_mem>>)
        %dma_wait3A = tpu.memref_slice %arg3[%add3A_43] : memref<320000xi32, #tpu.memory_space<hbm>> -> memref<128xi32, #tpu.memory_space<hbm>>
        %dma_wait3A_45 = tpu.memref_slice %arg3[%add3A_43] : memref<320000xi32, #tpu.memory_space<hbm>> -> memref<128xi32, #tpu.memory_space<hbm>>
        tpu.wait_dma2 semaphore(%run_scoped3A : memref<!tpu.dma_semaphore, #tpu.memory_space<semaphore_mem>>) src(%dma_wait3A_45 : memref<128xi32, #tpu.memory_space<hbm>>) dst(%arg9 : memref<128xi32, #tpu.memory_space<vmem>>)
        tpu.yield
      }) : () -> ()
      "tpu.region"() ({
        %run_scoped3A = tpu.sem_alloc : memref<!tpu.dma_semaphore, #tpu.memory_space<semaphore_mem>>
        %dma_start3A = arith.constant 0 : i32
        %dma_start3A_44 = tpu.memref_slice %arg2[%add3A_43, %dma_start3A] : memref<320000x128xf32, #tpu.memory_space<hbm>> -> memref<128x128xf32, #tpu.memory_space<hbm>>
        %dma_start3A_45 = arith.constant 0 : i32
        %dma_start3A_46 = tpu.memref_slice %arg2[%add3A_43, %dma_start3A_45] : memref<320000x128xf32, #tpu.memory_space<hbm>> -> memref<128x128xf32, #tpu.memory_space<hbm>>
        tpu.enqueue_dma source(%dma_start3A_46 : memref<128x128xf32, #tpu.memory_space<hbm>>) target(%arg8 : memref<128x128xf32, #tpu.memory_space<vmem>>) target_semaphore(%run_scoped3A : memref<!tpu.dma_semaphore, #tpu.memory_space<semaphore_mem>>)
        %dma_wait3A = arith.constant 0 : i32
        %dma_wait3A_47 = tpu.memref_slice %arg2[%add3A_43, %dma_wait3A] : memref<320000x128xf32, #tpu.memory_space<hbm>> -> memref<128x128xf32, #tpu.memory_space<hbm>>
        %dma_wait3A_48 = arith.constant 0 : i32
        %dma_wait3A_49 = tpu.memref_slice %arg2[%add3A_43, %dma_wait3A_48] : memref<320000x128xf32, #tpu.memory_space<hbm>> -> memref<128x128xf32, #tpu.memory_space<hbm>>
        tpu.wait_dma2 semaphore(%run_scoped3A : memref<!tpu.dma_semaphore, #tpu.memory_space<semaphore_mem>>) src(%dma_wait3A_49 : memref<128x128xf32, #tpu.memory_space<hbm>>) dst(%arg8 : memref<128x128xf32, #tpu.memory_space<vmem>>)
        tpu.yield
      }) : () -> ()
      "tpu.region"() ({
        %run_scoped3A = tpu.sem_alloc : memref<!tpu.dma_semaphore, #tpu.memory_space<semaphore_mem>>
        %dma_start3A = arith.constant 0 : i32
        %dma_start3A_44 = arith.constant 0 : i32
        %dma_start3A_45 = tpu.memref_slice %arg12[%dma_start3A, %dma_start3A_44] : memref<10000x128xf32, #tpu.memory_space<vmem_shared>> -> memref<10000x128xf32, #tpu.memory_space<vmem_shared>>
        tpu.enqueue_indirect_dma source(%arg8 : memref<128x128xf32, #tpu.memory_space<vmem>>) target(%dma_start3A_45 : memref<10000x128xf32, #tpu.memory_space<vmem_shared>>) offsets(%arg9 : memref<128xi32, #tpu.memory_space<vmem>>) semaphore(%run_scoped3A : memref<!tpu.dma_semaphore, #tpu.memory_space<semaphore_mem>>) {add = true}
        %dma_wait3A = arith.constant 0 : i32
        %dma_wait3A_46 = arith.constant 0 : i32
        %dma_wait3A_47 = tpu.memref_slice %arg12[%dma_wait3A, %dma_wait3A_46] : memref<10000x128xf32, #tpu.memory_space<vmem_shared>> -> memref<10000x128xf32, #tpu.memory_space<vmem_shared>>
        tpu.wait_indirect_dma semaphore(%run_scoped3A : memref<!tpu.dma_semaphore, #tpu.memory_space<semaphore_mem>>) src(%arg8 : memref<128x128xf32, #tpu.memory_space<vmem>>) dst(%dma_wait3A_47 : memref<10000x128xf32, #tpu.memory_space<vmem_shared>>)
        tpu.yield
      }) : () -> ()
    }
    %scan3A_14 = arith.constant 78 : i32
    %add3A_15 = arith.constant 9984 : i32
    %add3A_16 = arith.addi %add3A, %add3A_15 : i32
    "tpu.region"() ({
      %run_scoped3A = tpu.sem_alloc : memref<!tpu.dma_semaphore, #tpu.memory_space<semaphore_mem>>
      %dma_start3A = tpu.memref_slice %arg3[%add3A_16] : memref<320000xi32, #tpu.memory_space<hbm>> -> memref<16xi32, #tpu.memory_space<hbm>>
      %dma_start3A_40 = tpu.memref_slice %arg3[%add3A_16] : memref<320000xi32, #tpu.memory_space<hbm>> -> memref<16xi32, #tpu.memory_space<hbm>>
      tpu.enqueue_dma source(%dma_start3A_40 : memref<16xi32, #tpu.memory_space<hbm>>) target(%arg10 : memref<16xi32, #tpu.memory_space<vmem>>) target_semaphore(%run_scoped3A : memref<!tpu.dma_semaphore, #tpu.memory_space<semaphore_mem>>)
      %dma_wait3A = tpu.memref_slice %arg3[%add3A_16] : memref<320000xi32, #tpu.memory_space<hbm>> -> memref<16xi32, #tpu.memory_space<hbm>>
      %dma_wait3A_41 = tpu.memref_slice %arg3[%add3A_16] : memref<320000xi32, #tpu.memory_space<hbm>> -> memref<16xi32, #tpu.memory_space<hbm>>
      tpu.wait_dma2 semaphore(%run_scoped3A : memref<!tpu.dma_semaphore, #tpu.memory_space<semaphore_mem>>) src(%dma_wait3A_41 : memref<16xi32, #tpu.memory_space<hbm>>) dst(%arg10 : memref<16xi32, #tpu.memory_space<vmem>>)
      tpu.yield
    }) : () -> ()
    "tpu.region"() ({
      %run_scoped3A = tpu.sem_alloc : memref<!tpu.dma_semaphore, #tpu.memory_space<semaphore_mem>>
      %dma_start3A = arith.constant 0 : i32
      %dma_start3A_40 = arith.constant 0 : i32
      %dma_start3A_41 = tpu.memref_slice %arg8[%dma_start3A, %dma_start3A_40] : memref<128x128xf32, #tpu.memory_space<vmem>> -> memref<16x128xf32, #tpu.memory_space<vmem>>
      %dma_start3A_42 = arith.constant 0 : i32
      %dma_start3A_43 = tpu.memref_slice %arg2[%add3A_16, %dma_start3A_42] : memref<320000x128xf32, #tpu.memory_space<hbm>> -> memref<16x128xf32, #tpu.memory_space<hbm>>
      %dma_start3A_44 = arith.constant 0 : i32
      %dma_start3A_45 = arith.constant 0 : i32
      %dma_start3A_46 = tpu.memref_slice %arg8[%dma_start3A_44, %dma_start3A_45] : memref<128x128xf32, #tpu.memory_space<vmem>> -> memref<16x128xf32, #tpu.memory_space<vmem>>
      %dma_start3A_47 = arith.constant 0 : i32
      %dma_start3A_48 = tpu.memref_slice %arg2[%add3A_16, %dma_start3A_47] : memref<320000x128xf32, #tpu.memory_space<hbm>> -> memref<16x128xf32, #tpu.memory_space<hbm>>
      tpu.enqueue_dma source(%dma_start3A_48 : memref<16x128xf32, #tpu.memory_space<hbm>>) target(%dma_start3A_46 : memref<16x128xf32, #tpu.memory_space<vmem>>) target_semaphore(%run_scoped3A : memref<!tpu.dma_semaphore, #tpu.memory_space<semaphore_mem>>)
      %dma_wait3A = arith.constant 0 : i32
      %dma_wait3A_49 = arith.constant 0 : i32
      %dma_wait3A_50 = tpu.memref_slice %arg8[%dma_wait3A, %dma_wait3A_49] : memref<128x128xf32, #tpu.memory_space<vmem>> -> memref<16x128xf32, #tpu.memory_space<vmem>>
      %dma_wait3A_51 = arith.constant 0 : i32
      %dma_wait3A_52 = tpu.memref_slice %arg2[%add3A_16, %dma_wait3A_51] : memref<320000x128xf32, #tpu.memory_space<hbm>> -> memref<16x128xf32, #tpu.memory_space<hbm>>
      %dma_wait3A_53 = arith.constant 0 : i32
      %dma_wait3A_54 = arith.constant 0 : i32
      %dma_wait3A_55 = tpu.memref_slice %arg8[%dma_wait3A_53, %dma_wait3A_54] : memref<128x128xf32, #tpu.memory_space<vmem>> -> memref<16x128xf32, #tpu.memory_space<vmem>>
      %dma_wait3A_56 = arith.constant 0 : i32
      %dma_wait3A_57 = tpu.memref_slice %arg2[%add3A_16, %dma_wait3A_56] : memref<320000x128xf32, #tpu.memory_space<hbm>> -> memref<16x128xf32, #tpu.memory_space<hbm>>
      tpu.wait_dma2 semaphore(%run_scoped3A : memref<!tpu.dma_semaphore, #tpu.memory_space<semaphore_mem>>) src(%dma_wait3A_57 : memref<16x128xf32, #tpu.memory_space<hbm>>) dst(%dma_wait3A_55 : memref<16x128xf32, #tpu.memory_space<vmem>>)
      tpu.yield
    }) : () -> ()
    "tpu.region"() ({
      %run_scoped3A = tpu.sem_alloc : memref<!tpu.dma_semaphore, #tpu.memory_space<semaphore_mem>>
      %dma_start3A = arith.constant 0 : i32
      %dma_start3A_40 = arith.constant 0 : i32
      %dma_start3A_41 = tpu.memref_slice %arg8[%dma_start3A, %dma_start3A_40] : memref<128x128xf32, #tpu.memory_space<vmem>> -> memref<16x128xf32, #tpu.memory_space<vmem>>
      %dma_start3A_42 = arith.constant 0 : i32
      %dma_start3A_43 = arith.constant 0 : i32
      %dma_start3A_44 = tpu.memref_slice %arg12[%dma_start3A_42, %dma_start3A_43] : memref<10000x128xf32, #tpu.memory_space<vmem_shared>> -> memref<10000x128xf32, #tpu.memory_space<vmem_shared>>
      tpu.enqueue_indirect_dma source(%dma_start3A_41 : memref<16x128xf32, #tpu.memory_space<vmem>>) target(%dma_start3A_44 : memref<10000x128xf32, #tpu.memory_space<vmem_shared>>) offsets(%arg10 : memref<16xi32, #tpu.memory_space<vmem>>) semaphore(%run_scoped3A : memref<!tpu.dma_semaphore, #tpu.memory_space<semaphore_mem>>) {add = true}
      %dma_wait3A = arith.constant 0 : i32
      %dma_wait3A_45 = arith.constant 0 : i32
      %dma_wait3A_46 = tpu.memref_slice %arg8[%dma_wait3A, %dma_wait3A_45] : memref<128x128xf32, #tpu.memory_space<vmem>> -> memref<16x128xf32, #tpu.memory_space<vmem>>
      %dma_wait3A_47 = arith.constant 0 : i32
      %dma_wait3A_48 = arith.constant 0 : i32
      %dma_wait3A_49 = tpu.memref_slice %arg12[%dma_wait3A_47, %dma_wait3A_48] : memref<10000x128xf32, #tpu.memory_space<vmem_shared>> -> memref<10000x128xf32, #tpu.memory_space<vmem_shared>>
      tpu.wait_indirect_dma semaphore(%run_scoped3A : memref<!tpu.dma_semaphore, #tpu.memory_space<semaphore_mem>>) src(%dma_wait3A_46 : memref<16x128xf32, #tpu.memory_space<vmem>>) dst(%dma_wait3A_49 : memref<10000x128xf32, #tpu.memory_space<vmem_shared>>)
      tpu.yield
    }) : () -> ()
    %mul3A_17 = arith.constant 80000 : i32
    %mul3A_18 = arith.muli %arg0, %mul3A_17 : i32
    %mul3A_19 = arith.constant 5000 : i32
    %mul3A_20 = arith.muli %arg1, %mul3A_19 : i32
    %add3A_21 = arith.addi %mul3A_18, %mul3A_20 : i32
    %scan3A_22 = arith.constant 0 : i32
    %scan3A_23 = arith.constant 39 : i32
    %scan3A_24 = arith.addi %scan3A_22, %scan3A_23 : i32
    %scan3A_25 = arith.constant 1 : i32
    scf.for %scan3A_40 = %scan3A_22 to %scan3A_24 step %scan3A_25  : i32 {
      %mul3A_41 = arith.constant 128 : i32
      %mul3A_42 = arith.muli %scan3A_40, %mul3A_41 : i32
      %add3A_43 = arith.addi %add3A_21, %mul3A_42 : i32
      "tpu.region"() ({
        %run_scoped3A = tpu.sem_alloc : memref<!tpu.dma_semaphore, #tpu.memory_space<semaphore_mem>>
        %dma_start3A = tpu.memref_slice %arg5[%add3A_43] : memref<160000xi32, #tpu.memory_space<hbm>> -> memref<128xi32, #tpu.memory_space<hbm>>
        %dma_start3A_44 = tpu.memref_slice %arg5[%add3A_43] : memref<160000xi32, #tpu.memory_space<hbm>> -> memref<128xi32, #tpu.memory_space<hbm>>
        tpu.enqueue_dma source(%dma_start3A_44 : memref<128xi32, #tpu.memory_space<hbm>>) target(%arg9 : memref<128xi32, #tpu.memory_space<vmem>>) target_semaphore(%run_scoped3A : memref<!tpu.dma_semaphore, #tpu.memory_space<semaphore_mem>>)
        %dma_wait3A = tpu.memref_slice %arg5[%add3A_43] : memref<160000xi32, #tpu.memory_space<hbm>> -> memref<128xi32, #tpu.memory_space<hbm>>
        %dma_wait3A_45 = tpu.memref_slice %arg5[%add3A_43] : memref<160000xi32, #tpu.memory_space<hbm>> -> memref<128xi32, #tpu.memory_space<hbm>>
        tpu.wait_dma2 semaphore(%run_scoped3A : memref<!tpu.dma_semaphore, #tpu.memory_space<semaphore_mem>>) src(%dma_wait3A_45 : memref<128xi32, #tpu.memory_space<hbm>>) dst(%arg9 : memref<128xi32, #tpu.memory_space<vmem>>)
        tpu.yield
      }) : () -> ()
      "tpu.region"() ({
        %run_scoped3A = tpu.sem_alloc : memref<!tpu.dma_semaphore, #tpu.memory_space<semaphore_mem>>
        %dma_start3A = arith.constant 0 : i32
        %dma_start3A_44 = tpu.memref_slice %arg4[%add3A_43, %dma_start3A] : memref<160000x128xf32, #tpu.memory_space<hbm>> -> memref<128x128xf32, #tpu.memory_space<hbm>>
        %dma_start3A_45 = arith.constant 0 : i32
        %dma_start3A_46 = tpu.memref_slice %arg4[%add3A_43, %dma_start3A_45] : memref<160000x128xf32, #tpu.memory_space<hbm>> -> memref<128x128xf32, #tpu.memory_space<hbm>>
        tpu.enqueue_dma source(%dma_start3A_46 : memref<128x128xf32, #tpu.memory_space<hbm>>) target(%arg8 : memref<128x128xf32, #tpu.memory_space<vmem>>) target_semaphore(%run_scoped3A : memref<!tpu.dma_semaphore, #tpu.memory_space<semaphore_mem>>)
        %dma_wait3A = arith.constant 0 : i32
        %dma_wait3A_47 = tpu.memref_slice %arg4[%add3A_43, %dma_wait3A] : memref<160000x128xf32, #tpu.memory_space<hbm>> -> memref<128x128xf32, #tpu.memory_space<hbm>>
        %dma_wait3A_48 = arith.constant 0 : i32
        %dma_wait3A_49 = tpu.memref_slice %arg4[%add3A_43, %dma_wait3A_48] : memref<160000x128xf32, #tpu.memory_space<hbm>> -> memref<128x128xf32, #tpu.memory_space<hbm>>
        tpu.wait_dma2 semaphore(%run_scoped3A : memref<!tpu.dma_semaphore, #tpu.memory_space<semaphore_mem>>) src(%dma_wait3A_49 : memref<128x128xf32, #tpu.memory_space<hbm>>) dst(%arg8 : memref<128x128xf32, #tpu.memory_space<vmem>>)
        tpu.yield
      }) : () -> ()
      "tpu.region"() ({
        %run_scoped3A = tpu.sem_alloc : memref<!tpu.dma_semaphore, #tpu.memory_space<semaphore_mem>>
        %dma_start3A = arith.constant 0 : i32
        %dma_start3A_44 = arith.constant 0 : i32
        %dma_start3A_45 = tpu.memref_slice %arg12[%dma_start3A, %dma_start3A_44] : memref<10000x128xf32, #tpu.memory_space<vmem_shared>> -> memref<10000x128xf32, #tpu.memory_space<vmem_shared>>
        tpu.enqueue_indirect_dma source(%arg8 : memref<128x128xf32, #tpu.memory_space<vmem>>) target(%dma_start3A_45 : memref<10000x128xf32, #tpu.memory_space<vmem_shared>>) offsets(%arg9 : memref<128xi32, #tpu.memory_space<vmem>>) semaphore(%run_scoped3A : memref<!tpu.dma_semaphore, #tpu.memory_space<semaphore_mem>>) {add = true}
        %dma_wait3A = arith.constant 0 : i32
        %dma_wait3A_46 = arith.constant 0 : i32
        %dma_wait3A_47 = tpu.memref_slice %arg12[%dma_wait3A, %dma_wait3A_46] : memref<10000x128xf32, #tpu.memory_space<vmem_shared>> -> memref<10000x128xf32, #tpu.memory_space<vmem_shared>>
        tpu.wait_indirect_dma semaphore(%run_scoped3A : memref<!tpu.dma_semaphore, #tpu.memory_space<semaphore_mem>>) src(%arg8 : memref<128x128xf32, #tpu.memory_space<vmem>>) dst(%dma_wait3A_47 : memref<10000x128xf32, #tpu.memory_space<vmem_shared>>)
        tpu.yield
      }) : () -> ()
    }
    %scan3A_26 = arith.constant 39 : i32
    %add3A_27 = arith.constant 4992 : i32
    %add3A_28 = arith.addi %add3A_21, %add3A_27 : i32
    "tpu.region"() ({
      %run_scoped3A = tpu.sem_alloc : memref<!tpu.dma_semaphore, #tpu.memory_space<semaphore_mem>>
      %dma_start3A = tpu.memref_slice %arg5[%add3A_28] : memref<160000xi32, #tpu.memory_space<hbm>> -> memref<8xi32, #tpu.memory_space<hbm>>
      %dma_start3A_40 = tpu.memref_slice %arg5[%add3A_28] : memref<160000xi32, #tpu.memory_space<hbm>> -> memref<8xi32, #tpu.memory_space<hbm>>
      tpu.enqueue_dma source(%dma_start3A_40 : memref<8xi32, #tpu.memory_space<hbm>>) target(%arg11 : memref<8xi32, #tpu.memory_space<vmem>>) target_semaphore(%run_scoped3A : memref<!tpu.dma_semaphore, #tpu.memory_space<semaphore_mem>>)
      %dma_wait3A = tpu.memref_slice %arg5[%add3A_28] : memref<160000xi32, #tpu.memory_space<hbm>> -> memref<8xi32, #tpu.memory_space<hbm>>
      %dma_wait3A_41 = tpu.memref_slice %arg5[%add3A_28] : memref<160000xi32, #tpu.memory_space<hbm>> -> memref<8xi32, #tpu.memory_space<hbm>>
      tpu.wait_dma2 semaphore(%run_scoped3A : memref<!tpu.dma_semaphore, #tpu.memory_space<semaphore_mem>>) src(%dma_wait3A_41 : memref<8xi32, #tpu.memory_space<hbm>>) dst(%arg11 : memref<8xi32, #tpu.memory_space<vmem>>)
      tpu.yield
    }) : () -> ()
    "tpu.region"() ({
      %run_scoped3A = tpu.sem_alloc : memref<!tpu.dma_semaphore, #tpu.memory_space<semaphore_mem>>
      %dma_start3A = arith.constant 0 : i32
      %dma_start3A_40 = arith.constant 0 : i32
      %dma_start3A_41 = tpu.memref_slice %arg8[%dma_start3A, %dma_start3A_40] : memref<128x128xf32, #tpu.memory_space<vmem>> -> memref<8x128xf32, #tpu.memory_space<vmem>>
      %dma_start3A_42 = arith.constant 0 : i32
      %dma_start3A_43 = tpu.memref_slice %arg4[%add3A_28, %dma_start3A_42] : memref<160000x128xf32, #tpu.memory_space<hbm>> -> memref<8x128xf32, #tpu.memory_space<hbm>>
      %dma_start3A_44 = arith.constant 0 : i32
      %dma_start3A_45 = arith.constant 0 : i32
      %dma_start3A_46 = tpu.memref_slice %arg8[%dma_start3A_44, %dma_start3A_45] : memref<128x128xf32, #tpu.memory_space<vmem>> -> memref<8x128xf32, #tpu.memory_space<vmem>>
      %dma_start3A_47 = arith.constant 0 : i32
      %dma_start3A_48 = tpu.memref_slice %arg4[%add3A_28, %dma_start3A_47] : memref<160000x128xf32, #tpu.memory_space<hbm>> -> memref<8x128xf32, #tpu.memory_space<hbm>>
      tpu.enqueue_dma source(%dma_start3A_48 : memref<8x128xf32, #tpu.memory_space<hbm>>) target(%dma_start3A_46 : memref<8x128xf32, #tpu.memory_space<vmem>>) target_semaphore(%run_scoped3A : memref<!tpu.dma_semaphore, #tpu.memory_space<semaphore_mem>>)
      %dma_wait3A = arith.constant 0 : i32
      %dma_wait3A_49 = arith.constant 0 : i32
      %dma_wait3A_50 = tpu.memref_slice %arg8[%dma_wait3A, %dma_wait3A_49] : memref<128x128xf32, #tpu.memory_space<vmem>> -> memref<8x128xf32, #tpu.memory_space<vmem>>
      %dma_wait3A_51 = arith.constant 0 : i32
      %dma_wait3A_52 = tpu.memref_slice %arg4[%add3A_28, %dma_wait3A_51] : memref<160000x128xf32, #tpu.memory_space<hbm>> -> memref<8x128xf32, #tpu.memory_space<hbm>>
      %dma_wait3A_53 = arith.constant 0 : i32
      %dma_wait3A_54 = arith.constant 0 : i32
      %dma_wait3A_55 = tpu.memref_slice %arg8[%dma_wait3A_53, %dma_wait3A_54] : memref<128x128xf32, #tpu.memory_space<vmem>> -> memref<8x128xf32, #tpu.memory_space<vmem>>
      %dma_wait3A_56 = arith.constant 0 : i32
      %dma_wait3A_57 = tpu.memref_slice %arg4[%add3A_28, %dma_wait3A_56] : memref<160000x128xf32, #tpu.memory_space<hbm>> -> memref<8x128xf32, #tpu.memory_space<hbm>>
      tpu.wait_dma2 semaphore(%run_scoped3A : memref<!tpu.dma_semaphore, #tpu.memory_space<semaphore_mem>>) src(%dma_wait3A_57 : memref<8x128xf32, #tpu.memory_space<hbm>>) dst(%dma_wait3A_55 : memref<8x128xf32, #tpu.memory_space<vmem>>)
      tpu.yield
    }) : () -> ()
    "tpu.region"() ({
      %run_scoped3A = tpu.sem_alloc : memref<!tpu.dma_semaphore, #tpu.memory_space<semaphore_mem>>
      %dma_start3A = arith.constant 0 : i32
      %dma_start3A_40 = arith.constant 0 : i32
      %dma_start3A_41 = tpu.memref_slice %arg8[%dma_start3A, %dma_start3A_40] : memref<128x128xf32, #tpu.memory_space<vmem>> -> memref<8x128xf32, #tpu.memory_space<vmem>>
      %dma_start3A_42 = arith.constant 0 : i32
      %dma_start3A_43 = arith.constant 0 : i32
      %dma_start3A_44 = tpu.memref_slice %arg12[%dma_start3A_42, %dma_start3A_43] : memref<10000x128xf32, #tpu.memory_space<vmem_shared>> -> memref<10000x128xf32, #tpu.memory_space<vmem_shared>>
      tpu.enqueue_indirect_dma source(%dma_start3A_41 : memref<8x128xf32, #tpu.memory_space<vmem>>) target(%dma_start3A_44 : memref<10000x128xf32, #tpu.memory_space<vmem_shared>>) offsets(%arg11 : memref<8xi32, #tpu.memory_space<vmem>>) semaphore(%run_scoped3A : memref<!tpu.dma_semaphore, #tpu.memory_space<semaphore_mem>>) {add = true}
      %dma_wait3A = arith.constant 0 : i32
      %dma_wait3A_45 = arith.constant 0 : i32
      %dma_wait3A_46 = tpu.memref_slice %arg8[%dma_wait3A, %dma_wait3A_45] : memref<128x128xf32, #tpu.memory_space<vmem>> -> memref<8x128xf32, #tpu.memory_space<vmem>>
      %dma_wait3A_47 = arith.constant 0 : i32
      %dma_wait3A_48 = arith.constant 0 : i32
      %dma_wait3A_49 = tpu.memref_slice %arg12[%dma_wait3A_47, %dma_wait3A_48] : memref<10000x128xf32, #tpu.memory_space<vmem_shared>> -> memref<10000x128xf32, #tpu.memory_space<vmem_shared>>
      tpu.wait_indirect_dma semaphore(%run_scoped3A : memref<!tpu.dma_semaphore, #tpu.memory_space<semaphore_mem>>) src(%dma_wait3A_46 : memref<8x128xf32, #tpu.memory_space<vmem>>) dst(%dma_wait3A_49 : memref<10000x128xf32, #tpu.memory_space<vmem_shared>>)
      tpu.yield
    }) : () -> ()
    %barrier3A_29 = arith.constant 0 : index
    tpu.barrier barrier_id(%barrier3A_29)
    %lt3A_30 = arith.constant 15 : i32
    %lt3A_31 = arith.cmpi slt, %arg1, %lt3A_30 : i32
    %convert_element_type3A_32 = arith.extui %lt3A_31 : i1 to i32
    %cond3A_33 = arith.constant 0 : i32
    %cond3A_34 = arith.cmpi ne, %convert_element_type3A_32, %cond3A_33 : i32
    scf.if %cond3A_34 {
      "tpu.region"() ({
        %run_scoped3A = tpu.sem_alloc : memref<!tpu.dma_semaphore, #tpu.memory_space<semaphore_mem>>
        %dma_start3A = arith.constant 0 : i32
        %dma_start3A_40 = arith.constant 0 : i32
        %dma_start3A_41 = tpu.memref_slice %arg7[%arg0, %dma_start3A, %dma_start3A_40] : memref<2x10000x128xf32, #tpu.memory_space<hbm>> -> memref<1x10000x128xf32, #tpu.memory_space<hbm>>
        %dma_start3A_42 = tpu.memref_squeeze %dma_start3A_41 : memref<1x10000x128xf32, #tpu.memory_space<hbm>> -> memref<10000x128xf32, #tpu.memory_space<hbm>>
        %dma_start3A_43 = arith.constant 0 : i32
        %dma_start3A_44 = tpu.memref_slice %dma_start3A_42[%mul3A_0, %dma_start3A_43] : memref<10000x128xf32, #tpu.memory_space<hbm>> -> memref<640x128xf32, #tpu.memory_space<hbm>>
        %dma_start3A_45 = arith.constant 0 : i32
        %dma_start3A_46 = tpu.memref_slice %arg12[%mul3A_0, %dma_start3A_45] : memref<10000x128xf32, #tpu.memory_space<vmem_shared>> -> memref<640x128xf32, #tpu.memory_space<vmem_shared>>
        tpu.enqueue_dma source(%dma_start3A_46 : memref<640x128xf32, #tpu.memory_space<vmem_shared>>) target(%dma_start3A_44 : memref<640x128xf32, #tpu.memory_space<hbm>>) target_semaphore(%run_scoped3A : memref<!tpu.dma_semaphore, #tpu.memory_space<semaphore_mem>>)
        %dma_wait3A = arith.constant 0 : i32
        %dma_wait3A_47 = arith.constant 0 : i32
        %dma_wait3A_48 = tpu.memref_slice %arg7[%arg0, %dma_wait3A, %dma_wait3A_47] : memref<2x10000x128xf32, #tpu.memory_space<hbm>> -> memref<1x10000x128xf32, #tpu.memory_space<hbm>>
        %dma_wait3A_49 = tpu.memref_squeeze %dma_wait3A_48 : memref<1x10000x128xf32, #tpu.memory_space<hbm>> -> memref<10000x128xf32, #tpu.memory_space<hbm>>
        %dma_wait3A_50 = arith.constant 0 : i32
        %dma_wait3A_51 = tpu.memref_slice %dma_wait3A_49[%mul3A_0, %dma_wait3A_50] : memref<10000x128xf32, #tpu.memory_space<hbm>> -> memref<640x128xf32, #tpu.memory_space<hbm>>
        %dma_wait3A_52 = arith.constant 0 : i32
        %dma_wait3A_53 = tpu.memref_slice %arg12[%mul3A_0, %dma_wait3A_52] : memref<10000x128xf32, #tpu.memory_space<vmem_shared>> -> memref<640x128xf32, #tpu.memory_space<vmem_shared>>
        tpu.wait_dma2 semaphore(%run_scoped3A : memref<!tpu.dma_semaphore, #tpu.memory_space<semaphore_mem>>) src(%dma_wait3A_53 : memref<640x128xf32, #tpu.memory_space<vmem_shared>>) dst(%dma_wait3A_51 : memref<640x128xf32, #tpu.memory_space<hbm>>)
        tpu.yield
      }) : () -> ()
    } else {
    }
    %eq3A_35 = arith.constant 15 : i32
    %eq3A_36 = arith.cmpi eq, %arg1, %eq3A_35 : i32
    %convert_element_type3A_37 = arith.extui %eq3A_36 : i1 to i32
    %cond3A_38 = arith.constant 0 : i32
    %cond3A_39 = arith.cmpi ne, %convert_element_type3A_37, %cond3A_38 : i32
    scf.if %cond3A_39 {
      "tpu.region"() ({
        %run_scoped3A = tpu.sem_alloc : memref<!tpu.dma_semaphore, #tpu.memory_space<semaphore_mem>>
        %dma_start3A = arith.constant 0 : i32
        %dma_start3A_40 = arith.constant 0 : i32
        %dma_start3A_41 = tpu.memref_slice %arg7[%arg0, %dma_start3A, %dma_start3A_40] : memref<2x10000x128xf32, #tpu.memory_space<hbm>> -> memref<1x10000x128xf32, #tpu.memory_space<hbm>>
        %dma_start3A_42 = tpu.memref_squeeze %dma_start3A_41 : memref<1x10000x128xf32, #tpu.memory_space<hbm>> -> memref<10000x128xf32, #tpu.memory_space<hbm>>
        %dma_start3A_43 = arith.constant 0 : i32
        %dma_start3A_44 = tpu.memref_slice %dma_start3A_42[%mul3A_0, %dma_start3A_43] : memref<10000x128xf32, #tpu.memory_space<hbm>> -> memref<400x128xf32, #tpu.memory_space<hbm>>
        %dma_start3A_45 = arith.constant 0 : i32
        %dma_start3A_46 = tpu.memref_slice %arg12[%mul3A_0, %dma_start3A_45] : memref<10000x128xf32, #tpu.memory_space<vmem_shared>> -> memref<400x128xf32, #tpu.memory_space<vmem_shared>>
        tpu.enqueue_dma source(%dma_start3A_46 : memref<400x128xf32, #tpu.memory_space<vmem_shared>>) target(%dma_start3A_44 : memref<400x128xf32, #tpu.memory_space<hbm>>) target_semaphore(%run_scoped3A : memref<!tpu.dma_semaphore, #tpu.memory_space<semaphore_mem>>)
        %dma_wait3A = arith.constant 0 : i32
        %dma_wait3A_47 = arith.constant 0 : i32
        %dma_wait3A_48 = tpu.memref_slice %arg7[%arg0, %dma_wait3A, %dma_wait3A_47] : memref<2x10000x128xf32, #tpu.memory_space<hbm>> -> memref<1x10000x128xf32, #tpu.memory_space<hbm>>
        %dma_wait3A_49 = tpu.memref_squeeze %dma_wait3A_48 : memref<1x10000x128xf32, #tpu.memory_space<hbm>> -> memref<10000x128xf32, #tpu.memory_space<hbm>>
        %dma_wait3A_50 = arith.constant 0 : i32
        %dma_wait3A_51 = tpu.memref_slice %dma_wait3A_49[%mul3A_0, %dma_wait3A_50] : memref<10000x128xf32, #tpu.memory_space<hbm>> -> memref<400x128xf32, #tpu.memory_space<hbm>>
        %dma_wait3A_52 = arith.constant 0 : i32
        %dma_wait3A_53 = tpu.memref_slice %arg12[%mul3A_0, %dma_wait3A_52] : memref<10000x128xf32, #tpu.memory_space<vmem_shared>> -> memref<400x128xf32, #tpu.memory_space<vmem_shared>>
        tpu.wait_dma2 semaphore(%run_scoped3A : memref<!tpu.dma_semaphore, #tpu.memory_space<semaphore_mem>>) src(%dma_wait3A_53 : memref<400x128xf32, #tpu.memory_space<vmem_shared>>) dst(%dma_wait3A_51 : memref<400x128xf32, #tpu.memory_space<hbm>>)
        tpu.yield
      }) : () -> ()
    } else {
    }
    return
  }
}

#map = affine_map<(d0, d1) -> (0, 0)>
#map1 = affine_map<(d0, d1) -> (0)>
module attributes {stable_mosaic.version = 14 : i64} {
  func.func @body(%arg0: i32, %arg1: i32, %arg2: memref<10000x128xf32, #tpu.memory_space<hbm>>, %arg3: memref<10000x128xf32, #tpu.memory_space<hbm>>, %arg4: memref<160000xi32, #tpu.memory_space<hbm>>, %arg5: memref<160000xi32, #tpu.memory_space<hbm>>, %arg6: memref<160000x128xf32, #tpu.memory_space<hbm>>, %arg7: memref<160000x128xf32, #tpu.memory_space<hbm>>, %arg8: memref<128xi32, #tpu.memory_space<vmem>>, %arg9: memref<128xi32, #tpu.memory_space<vmem>>, %arg10: memref<128x128xf32, #tpu.memory_space<vmem>>, %arg11: memref<128x128xf32, #tpu.memory_space<vmem>>, %arg12: memref<!tpu.dma_semaphore, #tpu.memory_space<semaphore_mem>>, %arg13: memref<!tpu.dma_semaphore, #tpu.memory_space<semaphore_mem>>) attributes {dimension_semantics = [#tpu.dimension_semantics<core_parallel>, #tpu.dimension_semantics<subcore_parallel>], iteration_bounds = array<i64: 2, 16>, scalar_prefetch = 0 : i64, scratch_operands = 6 : i64, tpu.core_type = #tpu.core_type<sc_vector_subcore>, window_params = [{transform_indices = #map}, {transform_indices = #map}, {transform_indices = #map1}, {transform_indices = #map1}, {transform_indices = #map}, {transform_indices = #map}]} {
    %mul3A = arith.constant 2 : i32
    %mul3A_0 = arith.muli %arg1, %mul3A : i32
    %add3A = arith.addi %mul3A_0, %arg0 : i32
    %lt3A = arith.constant 2 : i32
    %lt3A_1 = arith.cmpi slt, %add3A, %lt3A : i32
    %convert_element_type3A = arith.extui %lt3A_1 : i1 to i32
    %add3A_2 = arith.constant 39 : i32
    %add3A_3 = arith.addi %add3A_2, %convert_element_type3A : i32
    %while3A = arith.constant 0 : i32
    %while3A_4 = arith.subi %add3A_3, %while3A : i32
    %while3A_5 = arith.addi %while3A, %while3A_4 : i32
    %while3A_6 = arith.constant 1 : i32
    %while3A_7 = arith.divsi %while3A_4, %while3A_6 : i32
    %while3A_8 = arith.muli %while3A_7, %while3A_6 : i32
    %while3A_9 = arith.addi %while3A, %while3A_8 : i32
    %while3A_10 = arith.constant 1 : i32
    scf.for %while3A_12 = %while3A to %while3A_9 step %while3A_10  : i32 {
      %mul3A_13 = arith.constant 32 : i32
      %mul3A_14 = arith.muli %while3A_12, %mul3A_13 : i32
      %add3A_15 = arith.addi %add3A, %mul3A_14 : i32
      %mul3A_16 = arith.constant 128 : i32
      %mul3A_17 = arith.muli %add3A_15, %mul3A_16 : i32
      "tpu.region"() ({
        %run_scoped3A = tpu.sem_alloc : memref<!tpu.dma_semaphore, #tpu.memory_space<semaphore_mem>>
        %dma_start3A_28 = tpu.memref_slice %arg4[%mul3A_17] : memref<160000xi32, #tpu.memory_space<hbm>> -> memref<128xi32, #tpu.memory_space<hbm>>
        %dma_start3A_29 = tpu.memref_slice %arg4[%mul3A_17] : memref<160000xi32, #tpu.memory_space<hbm>> -> memref<128xi32, #tpu.memory_space<hbm>>
        tpu.enqueue_dma source(%dma_start3A_29 : memref<128xi32, #tpu.memory_space<hbm>>) target(%arg8 : memref<128xi32, #tpu.memory_space<vmem>>) target_semaphore(%run_scoped3A : memref<!tpu.dma_semaphore, #tpu.memory_space<semaphore_mem>>)
        %dma_wait3A_30 = tpu.memref_slice %arg4[%mul3A_17] : memref<160000xi32, #tpu.memory_space<hbm>> -> memref<128xi32, #tpu.memory_space<hbm>>
        %dma_wait3A_31 = tpu.memref_slice %arg4[%mul3A_17] : memref<160000xi32, #tpu.memory_space<hbm>> -> memref<128xi32, #tpu.memory_space<hbm>>
        tpu.wait_dma2 semaphore(%run_scoped3A : memref<!tpu.dma_semaphore, #tpu.memory_space<semaphore_mem>>) src(%dma_wait3A_31 : memref<128xi32, #tpu.memory_space<hbm>>) dst(%arg8 : memref<128xi32, #tpu.memory_space<vmem>>)
        tpu.yield
      }) : () -> ()
      "tpu.region"() ({
        %run_scoped3A = tpu.sem_alloc : memref<!tpu.dma_semaphore, #tpu.memory_space<semaphore_mem>>
        %dma_start3A_28 = tpu.memref_slice %arg5[%mul3A_17] : memref<160000xi32, #tpu.memory_space<hbm>> -> memref<128xi32, #tpu.memory_space<hbm>>
        %dma_start3A_29 = tpu.memref_slice %arg5[%mul3A_17] : memref<160000xi32, #tpu.memory_space<hbm>> -> memref<128xi32, #tpu.memory_space<hbm>>
        tpu.enqueue_dma source(%dma_start3A_29 : memref<128xi32, #tpu.memory_space<hbm>>) target(%arg9 : memref<128xi32, #tpu.memory_space<vmem>>) target_semaphore(%run_scoped3A : memref<!tpu.dma_semaphore, #tpu.memory_space<semaphore_mem>>)
        %dma_wait3A_30 = tpu.memref_slice %arg5[%mul3A_17] : memref<160000xi32, #tpu.memory_space<hbm>> -> memref<128xi32, #tpu.memory_space<hbm>>
        %dma_wait3A_31 = tpu.memref_slice %arg5[%mul3A_17] : memref<160000xi32, #tpu.memory_space<hbm>> -> memref<128xi32, #tpu.memory_space<hbm>>
        tpu.wait_dma2 semaphore(%run_scoped3A : memref<!tpu.dma_semaphore, #tpu.memory_space<semaphore_mem>>) src(%dma_wait3A_31 : memref<128xi32, #tpu.memory_space<hbm>>) dst(%arg9 : memref<128xi32, #tpu.memory_space<vmem>>)
        tpu.yield
      }) : () -> ()
      %dma_start3A = arith.constant 0 : i32
      %dma_start3A_18 = arith.constant 0 : i32
      %dma_start3A_19 = tpu.memref_slice %arg2[%dma_start3A, %dma_start3A_18] : memref<10000x128xf32, #tpu.memory_space<hbm>> -> memref<10000x128xf32, #tpu.memory_space<hbm>>
      tpu.enqueue_indirect_dma source(%dma_start3A_19 : memref<10000x128xf32, #tpu.memory_space<hbm>>) target(%arg10 : memref<128x128xf32, #tpu.memory_space<vmem>>) offsets(%arg8 : memref<128xi32, #tpu.memory_space<vmem>>) semaphore(%arg12 : memref<!tpu.dma_semaphore, #tpu.memory_space<semaphore_mem>>)
      %dma_start3A_20 = arith.constant 0 : i32
      %dma_start3A_21 = arith.constant 0 : i32
      %dma_start3A_22 = tpu.memref_slice %arg3[%dma_start3A_20, %dma_start3A_21] : memref<10000x128xf32, #tpu.memory_space<hbm>> -> memref<10000x128xf32, #tpu.memory_space<hbm>>
      tpu.enqueue_indirect_dma source(%dma_start3A_22 : memref<10000x128xf32, #tpu.memory_space<hbm>>) target(%arg11 : memref<128x128xf32, #tpu.memory_space<vmem>>) offsets(%arg9 : memref<128xi32, #tpu.memory_space<vmem>>) semaphore(%arg13 : memref<!tpu.dma_semaphore, #tpu.memory_space<semaphore_mem>>)
      %dma_wait3A = arith.constant 0 : i32
      %dma_wait3A_23 = arith.constant 0 : i32
      %dma_wait3A_24 = tpu.memref_slice %arg2[%dma_wait3A, %dma_wait3A_23] : memref<10000x128xf32, #tpu.memory_space<hbm>> -> memref<10000x128xf32, #tpu.memory_space<hbm>>
      tpu.wait_indirect_dma semaphore(%arg12 : memref<!tpu.dma_semaphore, #tpu.memory_space<semaphore_mem>>) src(%dma_wait3A_24 : memref<10000x128xf32, #tpu.memory_space<hbm>>) dst(%arg10 : memref<128x128xf32, #tpu.memory_space<vmem>>)
      %dma_wait3A_25 = arith.constant 0 : i32
      %dma_wait3A_26 = arith.constant 0 : i32
      %dma_wait3A_27 = tpu.memref_slice %arg3[%dma_wait3A_25, %dma_wait3A_26] : memref<10000x128xf32, #tpu.memory_space<hbm>> -> memref<10000x128xf32, #tpu.memory_space<hbm>>
      tpu.wait_indirect_dma semaphore(%arg13 : memref<!tpu.dma_semaphore, #tpu.memory_space<semaphore_mem>>) src(%dma_wait3A_27 : memref<10000x128xf32, #tpu.memory_space<hbm>>) dst(%arg11 : memref<128x128xf32, #tpu.memory_space<vmem>>)
      "tpu.region"() ({
        %run_scoped3A = tpu.sem_alloc : memref<!tpu.dma_semaphore, #tpu.memory_space<semaphore_mem>>
        %dma_start3A_28 = arith.constant 0 : i32
        %dma_start3A_29 = tpu.memref_slice %arg6[%mul3A_17, %dma_start3A_28] : memref<160000x128xf32, #tpu.memory_space<hbm>> -> memref<128x128xf32, #tpu.memory_space<hbm>>
        %dma_start3A_30 = arith.constant 0 : i32
        %dma_start3A_31 = tpu.memref_slice %arg6[%mul3A_17, %dma_start3A_30] : memref<160000x128xf32, #tpu.memory_space<hbm>> -> memref<128x128xf32, #tpu.memory_space<hbm>>
        tpu.enqueue_dma source(%arg10 : memref<128x128xf32, #tpu.memory_space<vmem>>) target(%dma_start3A_31 : memref<128x128xf32, #tpu.memory_space<hbm>>) target_semaphore(%run_scoped3A : memref<!tpu.dma_semaphore, #tpu.memory_space<semaphore_mem>>)
        %dma_wait3A_32 = arith.constant 0 : i32
        %dma_wait3A_33 = tpu.memref_slice %arg6[%mul3A_17, %dma_wait3A_32] : memref<160000x128xf32, #tpu.memory_space<hbm>> -> memref<128x128xf32, #tpu.memory_space<hbm>>
        %dma_wait3A_34 = arith.constant 0 : i32
        %dma_wait3A_35 = tpu.memref_slice %arg6[%mul3A_17, %dma_wait3A_34] : memref<160000x128xf32, #tpu.memory_space<hbm>> -> memref<128x128xf32, #tpu.memory_space<hbm>>
        tpu.wait_dma2 semaphore(%run_scoped3A : memref<!tpu.dma_semaphore, #tpu.memory_space<semaphore_mem>>) src(%arg10 : memref<128x128xf32, #tpu.memory_space<vmem>>) dst(%dma_wait3A_35 : memref<128x128xf32, #tpu.memory_space<hbm>>)
        tpu.yield
      }) : () -> ()
      "tpu.region"() ({
        %run_scoped3A = tpu.sem_alloc : memref<!tpu.dma_semaphore, #tpu.memory_space<semaphore_mem>>
        %dma_start3A_28 = arith.constant 0 : i32
        %dma_start3A_29 = tpu.memref_slice %arg7[%mul3A_17, %dma_start3A_28] : memref<160000x128xf32, #tpu.memory_space<hbm>> -> memref<128x128xf32, #tpu.memory_space<hbm>>
        %dma_start3A_30 = arith.constant 0 : i32
        %dma_start3A_31 = tpu.memref_slice %arg7[%mul3A_17, %dma_start3A_30] : memref<160000x128xf32, #tpu.memory_space<hbm>> -> memref<128x128xf32, #tpu.memory_space<hbm>>
        tpu.enqueue_dma source(%arg11 : memref<128x128xf32, #tpu.memory_space<vmem>>) target(%dma_start3A_31 : memref<128x128xf32, #tpu.memory_space<hbm>>) target_semaphore(%run_scoped3A : memref<!tpu.dma_semaphore, #tpu.memory_space<semaphore_mem>>)
        %dma_wait3A_32 = arith.constant 0 : i32
        %dma_wait3A_33 = tpu.memref_slice %arg7[%mul3A_17, %dma_wait3A_32] : memref<160000x128xf32, #tpu.memory_space<hbm>> -> memref<128x128xf32, #tpu.memory_space<hbm>>
        %dma_wait3A_34 = arith.constant 0 : i32
        %dma_wait3A_35 = tpu.memref_slice %arg7[%mul3A_17, %dma_wait3A_34] : memref<160000x128xf32, #tpu.memory_space<hbm>> -> memref<128x128xf32, #tpu.memory_space<hbm>>
        tpu.wait_dma2 semaphore(%run_scoped3A : memref<!tpu.dma_semaphore, #tpu.memory_space<semaphore_mem>>) src(%arg11 : memref<128x128xf32, #tpu.memory_space<vmem>>) dst(%dma_wait3A_35 : memref<128x128xf32, #tpu.memory_space<hbm>>)
        tpu.yield
      }) : () -> ()
    }
    %while3A_11 = arith.constant 1 : i32
    scf.for %while3A_12 = %while3A_9 to %while3A_5 step %while3A_11  : i32 {
      %mul3A_13 = arith.constant 32 : i32
      %mul3A_14 = arith.muli %while3A_12, %mul3A_13 : i32
      %add3A_15 = arith.addi %add3A, %mul3A_14 : i32
      %mul3A_16 = arith.constant 128 : i32
      %mul3A_17 = arith.muli %add3A_15, %mul3A_16 : i32
      "tpu.region"() ({
        %run_scoped3A = tpu.sem_alloc : memref<!tpu.dma_semaphore, #tpu.memory_space<semaphore_mem>>
        %dma_start3A_28 = tpu.memref_slice %arg4[%mul3A_17] : memref<160000xi32, #tpu.memory_space<hbm>> -> memref<128xi32, #tpu.memory_space<hbm>>
        %dma_start3A_29 = tpu.memref_slice %arg4[%mul3A_17] : memref<160000xi32, #tpu.memory_space<hbm>> -> memref<128xi32, #tpu.memory_space<hbm>>
        tpu.enqueue_dma source(%dma_start3A_29 : memref<128xi32, #tpu.memory_space<hbm>>) target(%arg8 : memref<128xi32, #tpu.memory_space<vmem>>) target_semaphore(%run_scoped3A : memref<!tpu.dma_semaphore, #tpu.memory_space<semaphore_mem>>)
        %dma_wait3A_30 = tpu.memref_slice %arg4[%mul3A_17] : memref<160000xi32, #tpu.memory_space<hbm>> -> memref<128xi32, #tpu.memory_space<hbm>>
        %dma_wait3A_31 = tpu.memref_slice %arg4[%mul3A_17] : memref<160000xi32, #tpu.memory_space<hbm>> -> memref<128xi32, #tpu.memory_space<hbm>>
        tpu.wait_dma2 semaphore(%run_scoped3A : memref<!tpu.dma_semaphore, #tpu.memory_space<semaphore_mem>>) src(%dma_wait3A_31 : memref<128xi32, #tpu.memory_space<hbm>>) dst(%arg8 : memref<128xi32, #tpu.memory_space<vmem>>)
        tpu.yield
      }) : () -> ()
      "tpu.region"() ({
        %run_scoped3A = tpu.sem_alloc : memref<!tpu.dma_semaphore, #tpu.memory_space<semaphore_mem>>
        %dma_start3A_28 = tpu.memref_slice %arg5[%mul3A_17] : memref<160000xi32, #tpu.memory_space<hbm>> -> memref<128xi32, #tpu.memory_space<hbm>>
        %dma_start3A_29 = tpu.memref_slice %arg5[%mul3A_17] : memref<160000xi32, #tpu.memory_space<hbm>> -> memref<128xi32, #tpu.memory_space<hbm>>
        tpu.enqueue_dma source(%dma_start3A_29 : memref<128xi32, #tpu.memory_space<hbm>>) target(%arg9 : memref<128xi32, #tpu.memory_space<vmem>>) target_semaphore(%run_scoped3A : memref<!tpu.dma_semaphore, #tpu.memory_space<semaphore_mem>>)
        %dma_wait3A_30 = tpu.memref_slice %arg5[%mul3A_17] : memref<160000xi32, #tpu.memory_space<hbm>> -> memref<128xi32, #tpu.memory_space<hbm>>
        %dma_wait3A_31 = tpu.memref_slice %arg5[%mul3A_17] : memref<160000xi32, #tpu.memory_space<hbm>> -> memref<128xi32, #tpu.memory_space<hbm>>
        tpu.wait_dma2 semaphore(%run_scoped3A : memref<!tpu.dma_semaphore, #tpu.memory_space<semaphore_mem>>) src(%dma_wait3A_31 : memref<128xi32, #tpu.memory_space<hbm>>) dst(%arg9 : memref<128xi32, #tpu.memory_space<vmem>>)
        tpu.yield
      }) : () -> ()
      %dma_start3A = arith.constant 0 : i32
      %dma_start3A_18 = arith.constant 0 : i32
      %dma_start3A_19 = tpu.memref_slice %arg2[%dma_start3A, %dma_start3A_18] : memref<10000x128xf32, #tpu.memory_space<hbm>> -> memref<10000x128xf32, #tpu.memory_space<hbm>>
      tpu.enqueue_indirect_dma source(%dma_start3A_19 : memref<10000x128xf32, #tpu.memory_space<hbm>>) target(%arg10 : memref<128x128xf32, #tpu.memory_space<vmem>>) offsets(%arg8 : memref<128xi32, #tpu.memory_space<vmem>>) semaphore(%arg12 : memref<!tpu.dma_semaphore, #tpu.memory_space<semaphore_mem>>)
      %dma_start3A_20 = arith.constant 0 : i32
      %dma_start3A_21 = arith.constant 0 : i32
      %dma_start3A_22 = tpu.memref_slice %arg3[%dma_start3A_20, %dma_start3A_21] : memref<10000x128xf32, #tpu.memory_space<hbm>> -> memref<10000x128xf32, #tpu.memory_space<hbm>>
      tpu.enqueue_indirect_dma source(%dma_start3A_22 : memref<10000x128xf32, #tpu.memory_space<hbm>>) target(%arg11 : memref<128x128xf32, #tpu.memory_space<vmem>>) offsets(%arg9 : memref<128xi32, #tpu.memory_space<vmem>>) semaphore(%arg13 : memref<!tpu.dma_semaphore, #tpu.memory_space<semaphore_mem>>)
      %dma_wait3A = arith.constant 0 : i32
      %dma_wait3A_23 = arith.constant 0 : i32
      %dma_wait3A_24 = tpu.memref_slice %arg2[%dma_wait3A, %dma_wait3A_23] : memref<10000x128xf32, #tpu.memory_space<hbm>> -> memref<10000x128xf32, #tpu.memory_space<hbm>>
      tpu.wait_indirect_dma semaphore(%arg12 : memref<!tpu.dma_semaphore, #tpu.memory_space<semaphore_mem>>) src(%dma_wait3A_24 : memref<10000x128xf32, #tpu.memory_space<hbm>>) dst(%arg10 : memref<128x128xf32, #tpu.memory_space<vmem>>)
      %dma_wait3A_25 = arith.constant 0 : i32
      %dma_wait3A_26 = arith.constant 0 : i32
      %dma_wait3A_27 = tpu.memref_slice %arg3[%dma_wait3A_25, %dma_wait3A_26] : memref<10000x128xf32, #tpu.memory_space<hbm>> -> memref<10000x128xf32, #tpu.memory_space<hbm>>
      tpu.wait_indirect_dma semaphore(%arg13 : memref<!tpu.dma_semaphore, #tpu.memory_space<semaphore_mem>>) src(%dma_wait3A_27 : memref<10000x128xf32, #tpu.memory_space<hbm>>) dst(%arg11 : memref<128x128xf32, #tpu.memory_space<vmem>>)
      "tpu.region"() ({
        %run_scoped3A = tpu.sem_alloc : memref<!tpu.dma_semaphore, #tpu.memory_space<semaphore_mem>>
        %dma_start3A_28 = arith.constant 0 : i32
        %dma_start3A_29 = tpu.memref_slice %arg6[%mul3A_17, %dma_start3A_28] : memref<160000x128xf32, #tpu.memory_space<hbm>> -> memref<128x128xf32, #tpu.memory_space<hbm>>
        %dma_start3A_30 = arith.constant 0 : i32
        %dma_start3A_31 = tpu.memref_slice %arg6[%mul3A_17, %dma_start3A_30] : memref<160000x128xf32, #tpu.memory_space<hbm>> -> memref<128x128xf32, #tpu.memory_space<hbm>>
        tpu.enqueue_dma source(%arg10 : memref<128x128xf32, #tpu.memory_space<vmem>>) target(%dma_start3A_31 : memref<128x128xf32, #tpu.memory_space<hbm>>) target_semaphore(%run_scoped3A : memref<!tpu.dma_semaphore, #tpu.memory_space<semaphore_mem>>)
        %dma_wait3A_32 = arith.constant 0 : i32
        %dma_wait3A_33 = tpu.memref_slice %arg6[%mul3A_17, %dma_wait3A_32] : memref<160000x128xf32, #tpu.memory_space<hbm>> -> memref<128x128xf32, #tpu.memory_space<hbm>>
        %dma_wait3A_34 = arith.constant 0 : i32
        %dma_wait3A_35 = tpu.memref_slice %arg6[%mul3A_17, %dma_wait3A_34] : memref<160000x128xf32, #tpu.memory_space<hbm>> -> memref<128x128xf32, #tpu.memory_space<hbm>>
        tpu.wait_dma2 semaphore(%run_scoped3A : memref<!tpu.dma_semaphore, #tpu.memory_space<semaphore_mem>>) src(%arg10 : memref<128x128xf32, #tpu.memory_space<vmem>>) dst(%dma_wait3A_35 : memref<128x128xf32, #tpu.memory_space<hbm>>)
        tpu.yield
      }) : () -> ()
      "tpu.region"() ({
        %run_scoped3A = tpu.sem_alloc : memref<!tpu.dma_semaphore, #tpu.memory_space<semaphore_mem>>
        %dma_start3A_28 = arith.constant 0 : i32
        %dma_start3A_29 = tpu.memref_slice %arg7[%mul3A_17, %dma_start3A_28] : memref<160000x128xf32, #tpu.memory_space<hbm>> -> memref<128x128xf32, #tpu.memory_space<hbm>>
        %dma_start3A_30 = arith.constant 0 : i32
        %dma_start3A_31 = tpu.memref_slice %arg7[%mul3A_17, %dma_start3A_30] : memref<160000x128xf32, #tpu.memory_space<hbm>> -> memref<128x128xf32, #tpu.memory_space<hbm>>
        tpu.enqueue_dma source(%arg11 : memref<128x128xf32, #tpu.memory_space<vmem>>) target(%dma_start3A_31 : memref<128x128xf32, #tpu.memory_space<hbm>>) target_semaphore(%run_scoped3A : memref<!tpu.dma_semaphore, #tpu.memory_space<semaphore_mem>>)
        %dma_wait3A_32 = arith.constant 0 : i32
        %dma_wait3A_33 = tpu.memref_slice %arg7[%mul3A_17, %dma_wait3A_32] : memref<160000x128xf32, #tpu.memory_space<hbm>> -> memref<128x128xf32, #tpu.memory_space<hbm>>
        %dma_wait3A_34 = arith.constant 0 : i32
        %dma_wait3A_35 = tpu.memref_slice %arg7[%mul3A_17, %dma_wait3A_34] : memref<160000x128xf32, #tpu.memory_space<hbm>> -> memref<128x128xf32, #tpu.memory_space<hbm>>
        tpu.wait_dma2 semaphore(%run_scoped3A : memref<!tpu.dma_semaphore, #tpu.memory_space<semaphore_mem>>) src(%arg11 : memref<128x128xf32, #tpu.memory_space<vmem>>) dst(%dma_wait3A_35 : memref<128x128xf32, #tpu.memory_space<hbm>>)
        tpu.yield
      }) : () -> ()
    }
    return
  }
}

module attributes {stable_mosaic.version = 14 : i64} {
  func.func @body(%arg0: i32, %arg1: memref<2000x128xf32, #tpu.memory_space<vmem>>, %arg2: memref<128x512xf32, #tpu.memory_space<vmem>>, %arg3: memref<128x128xf32, #tpu.memory_space<vmem>>, %arg4: memref<2000x128xf32, #tpu.memory_space<vmem>>, %arg5: memref<2000x128xf32, #tpu.memory_space<vmem>>, %arg6: memref<2000x128xf32, #tpu.memory_space<vmem>>, %arg7: memref<2000x128xf32, #tpu.memory_space<vmem>>, %arg8: memref<2000x128xf32, #tpu.memory_space<vmem>>) attributes {dimension_semantics = [#tpu.dimension_semantics<arbitrary>], iteration_bounds = array<i64: 5>, scalar_prefetch = 0 : i64, scratch_operands = 0 : i64, tpu.core_type = #tpu.core_type<tc>, window_params = [{transform_indices = @transform_0, window_bounds = array<i64: 2000, 128>}, {pipeline_mode = #tpu.pipeline_mode<synchronous>, transform_indices = @transform_1, window_bounds = array<i64: 128, 512>}, {pipeline_mode = #tpu.pipeline_mode<synchronous>, transform_indices = @transform_2, window_bounds = array<i64: 128, 128>}, {transform_indices = @transform_3, window_bounds = array<i64: 2000, 128>}, {transform_indices = @transform_4, window_bounds = array<i64: 2000, 128>}, {transform_indices = @transform_5, window_bounds = array<i64: 2000, 128>}, {transform_indices = @transform_6, window_bounds = array<i64: 2000, 128>}, {transform_indices = @transform_7, window_bounds = array<i64: 2000, 128>}]} {
    %get3A = arith.constant 0 : index
    %get3A_0 = arith.constant 0 : index
    %get3A_1 = vector.load %arg1[%get3A, %get3A_0] : memref<2000x128xf32, #tpu.memory_space<vmem>>, vector<2000x128xf32>
    %get3A_2 = arith.constant 0 : index
    %get3A_3 = arith.constant 0 : index
    %get3A_4 = vector.load %arg2[%get3A_2, %get3A_3] : memref<128x512xf32, #tpu.memory_space<vmem>>, vector<128x512xf32>
    %dot_general3A = arith.constant dense<0.000000e+00> : vector<2000x512xf32>
    %dot_general3A_5 = tpu.matmul %get3A_1, %get3A_4, %dot_general3A {dimension_numbers = #tpu.dot_dimension_numbers<[1], [0], [0], [1], [0, 0, 1, 1], [], []>, transpose_lhs_hint = false} : vector<2000x128xf32>, vector<128x512xf32>, vector<2000x512xf32> -> vector<2000x512xf32>
    %slice3A = vector.extract_strided_slice %dot_general3A_5 {offsets = [0, 0], sizes = [2000, 128], strides = [1, 1]} : vector<2000x512xf32> to vector<2000x128xf32>
    %swap3A = arith.constant 0 : index
    %swap3A_6 = arith.constant 0 : index
    %swap3A_7 = vector.load %arg4[%swap3A, %swap3A_6] : memref<2000x128xf32, #tpu.memory_space<vmem>>, vector<2000x128xf32>
    tpu.vector_store %arg4[%swap3A, %swap3A_6], %slice3A {strides = array<i32>} : memref<2000x128xf32, #tpu.memory_space<vmem>>, vector<2000x128xf32>,
    %slice3A_8 = vector.extract_strided_slice %dot_general3A_5 {offsets = [0, 128], sizes = [2000, 128], strides = [1, 1]} : vector<2000x512xf32> to vector<2000x128xf32>
    %swap3A_9 = arith.constant 0 : index
    %swap3A_10 = arith.constant 0 : index
    %swap3A_11 = vector.load %arg5[%swap3A_9, %swap3A_10] : memref<2000x128xf32, #tpu.memory_space<vmem>>, vector<2000x128xf32>
    tpu.vector_store %arg5[%swap3A_9, %swap3A_10], %slice3A_8 {strides = array<i32>} : memref<2000x128xf32, #tpu.memory_space<vmem>>, vector<2000x128xf32>,
    %slice3A_12 = vector.extract_strided_slice %dot_general3A_5 {offsets = [0, 256], sizes = [2000, 128], strides = [1, 1]} : vector<2000x512xf32> to vector<2000x128xf32>
    %swap3A_13 = arith.constant 0 : index
    %swap3A_14 = arith.constant 0 : index
    %swap3A_15 = vector.load %arg6[%swap3A_13, %swap3A_14] : memref<2000x128xf32, #tpu.memory_space<vmem>>, vector<2000x128xf32>
    tpu.vector_store %arg6[%swap3A_13, %swap3A_14], %slice3A_12 {strides = array<i32>} : memref<2000x128xf32, #tpu.memory_space<vmem>>, vector<2000x128xf32>,
    %slice3A_16 = vector.extract_strided_slice %dot_general3A_5 {offsets = [0, 384], sizes = [2000, 128], strides = [1, 1]} : vector<2000x512xf32> to vector<2000x128xf32>
    %swap3A_17 = arith.constant 0 : index
    %swap3A_18 = arith.constant 0 : index
    %swap3A_19 = vector.load %arg7[%swap3A_17, %swap3A_18] : memref<2000x128xf32, #tpu.memory_space<vmem>>, vector<2000x128xf32>
    tpu.vector_store %arg7[%swap3A_17, %swap3A_18], %slice3A_16 {strides = array<i32>} : memref<2000x128xf32, #tpu.memory_space<vmem>>, vector<2000x128xf32>,
    %get3A_20 = arith.constant 0 : index
    %get3A_21 = arith.constant 0 : index
    %get3A_22 = vector.load %arg3[%get3A_20, %get3A_21] : memref<128x128xf32, #tpu.memory_space<vmem>>, vector<128x128xf32>
    %dot_general3A_23 = arith.constant dense<0.000000e+00> : vector<2000x128xf32>
    %dot_general3A_24 = tpu.matmul %get3A_1, %get3A_22, %dot_general3A_23 {dimension_numbers = #tpu.dot_dimension_numbers<[1], [0], [0], [1], [0, 0, 1, 1], [], []>, transpose_lhs_hint = false} : vector<2000x128xf32>, vector<128x128xf32>, vector<2000x128xf32> -> vector<2000x128xf32>
    %swap3A_25 = arith.constant 0 : index
    %swap3A_26 = arith.constant 0 : index
    %swap3A_27 = vector.load %arg8[%swap3A_25, %swap3A_26] : memref<2000x128xf32, #tpu.memory_space<vmem>>, vector<2000x128xf32>
    tpu.vector_store %arg8[%swap3A_25, %swap3A_26], %dot_general3A_24 {strides = array<i32>} : memref<2000x128xf32, #tpu.memory_space<vmem>>, vector<2000x128xf32>,
    return
  }
  func.func @transform_0(%arg0: i32) -> (i32, i32) {
    %c0_i32 = arith.constant 0 : i32
    %c0_i32_0 = arith.constant 0 : i32
    return %arg0, %c0_i32 : i32, i32
  }
  func.func @transform_1(%arg0: i32) -> (i32, i32) {
    %c0_i32 = arith.constant 0 : i32
    %c0_i32_0 = arith.constant 0 : i32
    %c0_i32_1 = arith.constant 0 : i32
    return %c0_i32, %c0_i32_0 : i32, i32
  }
  func.func @transform_2(%arg0: i32) -> (i32, i32) {
    %c0_i32 = arith.constant 0 : i32
    %c0_i32_0 = arith.constant 0 : i32
    %c0_i32_1 = arith.constant 0 : i32
    return %c0_i32, %c0_i32_0 : i32, i32
  }
  func.func @transform_3(%arg0: i32) -> (i32, i32) {
    %c0_i32 = arith.constant 0 : i32
    %c0_i32_0 = arith.constant 0 : i32
    return %arg0, %c0_i32 : i32, i32
  }
  func.func @transform_4(%arg0: i32) -> (i32, i32) {
    %c0_i32 = arith.constant 0 : i32
    %c0_i32_0 = arith.constant 0 : i32
    return %arg0, %c0_i32 : i32, i32
  }
  func.func @transform_5(%arg0: i32) -> (i32, i32) {
    %c0_i32 = arith.constant 0 : i32
    %c0_i32_0 = arith.constant 0 : i32
    return %arg0, %c0_i32 : i32, i32
  }
  func.func @transform_6(%arg0: i32) -> (i32, i32) {
    %c0_i32 = arith.constant 0 : i32
    %c0_i32_0 = arith.constant 0 : i32
    return %arg0, %c0_i32 : i32, i32
  }
  func.func @transform_7(%arg0: i32) -> (i32, i32) {
    %c0_i32 = arith.constant 0 : i32
    %c0_i32_0 = arith.constant 0 : i32
    return %arg0, %c0_i32 : i32, i32
  }
}

module attributes {stable_mosaic.version = 14 : i64} {
  func.func @body(%arg0: i32, %arg1: memref<640x128xf32, #tpu.memory_space<vmem>>, %arg2: memref<640x128xf32, #tpu.memory_space<vmem>>, %arg3: memref<640x128xf32, #tpu.memory_space<vmem>>, %arg4: memref<128x128xbf16, #tpu.memory_space<vmem>>, %arg5: memref<1x128xf32, #tpu.memory_space<vmem>>, %arg6: memref<128x128xbf16, #tpu.memory_space<vmem>>, %arg7: memref<1x128xf32, #tpu.memory_space<vmem>>, %arg8: memref<128x128xbf16, #tpu.memory_space<vmem>>, %arg9: memref<1x128xf32, #tpu.memory_space<vmem>>, %arg10: memref<1x128xf32, #tpu.memory_space<vmem>>, %arg11: memref<1x128xf32, #tpu.memory_space<vmem>>, %arg12: memref<128x128xbf16, #tpu.memory_space<vmem>>, %arg13: memref<640x128xf32, #tpu.memory_space<vmem>>, %arg14: memref<640x128xf32, #tpu.memory_space<vmem>>) attributes {dimension_semantics = [#tpu.dimension_semantics<arbitrary>], iteration_bounds = array<i64: 250>, scalar_prefetch = 0 : i64, scratch_operands = 0 : i64, tpu.core_type = #tpu.core_type<tc>, window_params = [{transform_indices = @transform_0, window_bounds = array<i64: 640, 128>}, {transform_indices = @transform_1, window_bounds = array<i64: 640, 128>}, {transform_indices = @transform_2, window_bounds = array<i64: 640, 128>}, {pipeline_mode = #tpu.pipeline_mode<synchronous>, transform_indices = @transform_3, window_bounds = array<i64: 128, 128>}, {pipeline_mode = #tpu.pipeline_mode<synchronous>, transform_indices = @transform_4, window_bounds = array<i64: 1, 128>}, {pipeline_mode = #tpu.pipeline_mode<synchronous>, transform_indices = @transform_5, window_bounds = array<i64: 128, 128>}, {pipeline_mode = #tpu.pipeline_mode<synchronous>, transform_indices = @transform_6, window_bounds = array<i64: 1, 128>}, {pipeline_mode = #tpu.pipeline_mode<synchronous>, transform_indices = @transform_7, window_bounds = array<i64: 128, 128>}, {pipeline_mode = #tpu.pipeline_mode<synchronous>, transform_indices = @transform_8, window_bounds = array<i64: 1, 128>}, {pipeline_mode = #tpu.pipeline_mode<synchronous>, transform_indices = @transform_9, window_bounds = array<i64: 1, 128>}, {pipeline_mode = #tpu.pipeline_mode<synchronous>, transform_indices = @transform_10, window_bounds = array<i64: 1, 128>}, {pipeline_mode = #tpu.pipeline_mode<synchronous>, transform_indices = @transform_11, window_bounds = array<i64: 128, 128>}, {transform_indices = @transform_12, window_bounds = array<i64: 640, 128>}, {transform_indices = @transform_13, window_bounds = array<i64: 640, 128>}]} {
    %get3A = arith.constant 0 : index
    %get3A_0 = arith.constant 0 : index
    %get3A_1 = vector.load %arg3[%get3A, %get3A_0] : memref<640x128xf32, #tpu.memory_space<vmem>>, vector<640x128xf32>
    %get3A_2 = arith.constant 0 : index
    %get3A_3 = arith.constant 0 : index
    %get3A_4 = vector.load %arg1[%get3A_2, %get3A_3] : memref<640x128xf32, #tpu.memory_space<vmem>>, vector<640x128xf32>
    %get3A_5 = arith.constant 0 : index
    %get3A_6 = arith.constant 0 : index
    %get3A_7 = vector.load %arg2[%get3A_5, %get3A_6] : memref<640x128xf32, #tpu.memory_space<vmem>>, vector<640x128xf32>
    %add3A = arith.addf %get3A_4, %get3A_7 : vector<640x128xf32>
    %get3A_8 = arith.constant 0 : index
    %get3A_9 = arith.constant 0 : index
    %get3A_10 = vector.load %arg5[%get3A_8, %get3A_9] : memref<1x128xf32, #tpu.memory_space<vmem>>, vector<1x128xf32>
    %add3A_11 = vector.broadcast %get3A_10 : vector<1x128xf32> to vector<640x128xf32>
    %add3A_12 = arith.addf %add3A, %add3A_11 : vector<640x128xf32>
    %convert_element_type3A = arith.truncf %get3A_1 : vector<640x128xf32> to vector<640x128xbf16>
    %get3A_13 = arith.constant 0 : index
    %get3A_14 = arith.constant 0 : index
    %get3A_15 = vector.load %arg4[%get3A_13, %get3A_14] : memref<128x128xbf16, #tpu.memory_space<vmem>>, vector<128x128xbf16>
    %dot_general3A = arith.constant dense<0.000000e+00> : vector<640x128xf32>
    %dot_general3A_16 = tpu.matmul %convert_element_type3A, %get3A_15, %dot_general3A {dimension_numbers = #tpu.dot_dimension_numbers<[1], [0], [0], [1], [0, 0, 1, 1], [], []>, transpose_lhs_hint = false} : vector<640x128xbf16>, vector<128x128xbf16>, vector<640x128xf32> -> vector<640x128xf32>
    %add3A_17 = arith.addf %add3A_12, %dot_general3A_16 : vector<640x128xf32>
    %max3A = arith.constant 0.000000e+00 : f32
    %max3A_18 = vector.broadcast %max3A : f32 to vector<640x128xf32>
    %max3A_19 = arith.maximumf %add3A_17, %max3A_18 : vector<640x128xf32>
    %convert_element_type3A_20 = arith.truncf %max3A_19 : vector<640x128xf32> to vector<640x128xbf16>
    %get3A_21 = arith.constant 0 : index
    %get3A_22 = arith.constant 0 : index
    %get3A_23 = vector.load %arg6[%get3A_21, %get3A_22] : memref<128x128xbf16, #tpu.memory_space<vmem>>, vector<128x128xbf16>
    %dot_general3A_24 = arith.constant dense<0.000000e+00> : vector<640x128xf32>
    %dot_general3A_25 = tpu.matmul %convert_element_type3A_20, %get3A_23, %dot_general3A_24 {dimension_numbers = #tpu.dot_dimension_numbers<[1], [0], [0], [1], [0, 0, 1, 1], [], []>, transpose_lhs_hint = false} : vector<640x128xbf16>, vector<128x128xbf16>, vector<640x128xf32> -> vector<640x128xf32>
    %get3A_26 = arith.constant 0 : index
    %get3A_27 = arith.constant 0 : index
    %get3A_28 = vector.load %arg7[%get3A_26, %get3A_27] : memref<1x128xf32, #tpu.memory_space<vmem>>, vector<1x128xf32>
    %add3A_29 = vector.broadcast %get3A_28 : vector<1x128xf32> to vector<640x128xf32>
    %add3A_30 = arith.addf %dot_general3A_25, %add3A_29 : vector<640x128xf32>
    %max3A_31 = arith.constant 0.000000e+00 : f32
    %max3A_32 = vector.broadcast %max3A_31 : f32 to vector<640x128xf32>
    %max3A_33 = arith.maximumf %add3A_30, %max3A_32 : vector<640x128xf32>
    %convert_element_type3A_34 = arith.truncf %max3A_33 : vector<640x128xf32> to vector<640x128xbf16>
    %get3A_35 = arith.constant 0 : index
    %get3A_36 = arith.constant 0 : index
    %get3A_37 = vector.load %arg8[%get3A_35, %get3A_36] : memref<128x128xbf16, #tpu.memory_space<vmem>>, vector<128x128xbf16>
    %dot_general3A_38 = arith.constant dense<0.000000e+00> : vector<640x128xf32>
    %dot_general3A_39 = tpu.matmul %convert_element_type3A_34, %get3A_37, %dot_general3A_38 {dimension_numbers = #tpu.dot_dimension_numbers<[1], [0], [0], [1], [0, 0, 1, 1], [], []>, transpose_lhs_hint = false} : vector<640x128xbf16>, vector<128x128xbf16>, vector<640x128xf32> -> vector<640x128xf32>
    %get3A_40 = arith.constant 0 : index
    %get3A_41 = arith.constant 0 : index
    %get3A_42 = vector.load %arg9[%get3A_40, %get3A_41] : memref<1x128xf32, #tpu.memory_space<vmem>>, vector<1x128xf32>
    %add3A_43 = vector.broadcast %get3A_42 : vector<1x128xf32> to vector<640x128xf32>
    %add3A_44 = arith.addf %dot_general3A_39, %add3A_43 : vector<640x128xf32>
    %reduce_sum3A = arith.constant dense<0.000000e+00> : vector<640xf32>
    %reduce_sum3A_45 = vector.multi_reduction <add>, %add3A_44, %reduce_sum3A [1] : vector<640x128xf32> to vector<640xf32>
    %broadcast_in_dim3A = vector.shape_cast %reduce_sum3A_45 : vector<640xf32> to vector<640x1xf32>
    %div3A = arith.constant 1.280000e+02 : f32
    %div3A_46 = vector.broadcast %div3A : f32 to vector<640x1xf32>
    %div3A_47 = arith.divf %broadcast_in_dim3A, %div3A_46 : vector<640x1xf32>
    %sub3A = vector.broadcast %div3A_47 : vector<640x1xf32> to vector<640x128xf32>
    %sub3A_48 = arith.subf %add3A_44, %sub3A : vector<640x128xf32>
    %square3A = arith.mulf %sub3A_48, %sub3A_48 : vector<640x128xf32>
    %reduce_sum3A_49 = arith.constant dense<0.000000e+00> : vector<640xf32>
    %reduce_sum3A_50 = vector.multi_reduction <add>, %square3A, %reduce_sum3A_49 [1] : vector<640x128xf32> to vector<640xf32>
    %broadcast_in_dim3A_51 = vector.shape_cast %reduce_sum3A_50 : vector<640xf32> to vector<640x1xf32>
    %div3A_52 = arith.constant 1.280000e+02 : f32
    %div3A_53 = vector.broadcast %div3A_52 : f32 to vector<640x1xf32>
    %div3A_54 = arith.divf %broadcast_in_dim3A_51, %div3A_53 : vector<640x1xf32>
    %sub3A_55 = vector.broadcast %div3A_47 : vector<640x1xf32> to vector<640x128xf32>
    %sub3A_56 = arith.subf %add3A_44, %sub3A_55 : vector<640x128xf32>
    %add3A_57 = arith.constant 9.99999974E-6 : f32
    %add3A_58 = vector.broadcast %add3A_57 : f32 to vector<640x1xf32>
    %add3A_59 = arith.addf %div3A_54, %add3A_58 : vector<640x1xf32>
    %sqrt3A = math.sqrt %add3A_59 : vector<640x1xf32>
    %div3A_60 = vector.broadcast %sqrt3A : vector<640x1xf32> to vector<640x128xf32>
    %div3A_61 = arith.divf %sub3A_56, %div3A_60 : vector<640x128xf32>
    %get3A_62 = arith.constant 0 : index
    %get3A_63 = arith.constant 0 : index
    %get3A_64 = vector.load %arg10[%get3A_62, %get3A_63] : memref<1x128xf32, #tpu.memory_space<vmem>>, vector<1x128xf32>
    %mul3A = vector.broadcast %get3A_64 : vector<1x128xf32> to vector<640x128xf32>
    %mul3A_65 = arith.mulf %div3A_61, %mul3A : vector<640x128xf32>
    %get3A_66 = arith.constant 0 : index
    %get3A_67 = arith.constant 0 : index
    %get3A_68 = vector.load %arg11[%get3A_66, %get3A_67] : memref<1x128xf32, #tpu.memory_space<vmem>>, vector<1x128xf32>
    %add3A_69 = vector.broadcast %get3A_68 : vector<1x128xf32> to vector<640x128xf32>
    %add3A_70 = arith.addf %mul3A_65, %add3A_69 : vector<640x128xf32>
    %add3A_71 = arith.addf %add3A_70, %get3A_1 : vector<640x128xf32>
    %swap3A = arith.constant 0 : index
    %swap3A_72 = arith.constant 0 : index
    %swap3A_73 = vector.load %arg13[%swap3A, %swap3A_72] : memref<640x128xf32, #tpu.memory_space<vmem>>, vector<640x128xf32>
    tpu.vector_store %arg13[%swap3A, %swap3A_72], %add3A_71 {strides = array<i32>} : memref<640x128xf32, #tpu.memory_space<vmem>>, vector<640x128xf32>,
    %convert_element_type3A_74 = arith.truncf %add3A_70 : vector<640x128xf32> to vector<640x128xbf16>
    %get3A_75 = arith.constant 0 : index
    %get3A_76 = arith.constant 0 : index
    %get3A_77 = vector.load %arg12[%get3A_75, %get3A_76] : memref<128x128xbf16, #tpu.memory_space<vmem>>, vector<128x128xbf16>
    %dot_general3A_78 = arith.constant dense<0.000000e+00> : vector<640x128xf32>
    %dot_general3A_79 = tpu.matmul %convert_element_type3A_74, %get3A_77, %dot_general3A_78 {dimension_numbers = #tpu.dot_dimension_numbers<[1], [0], [0], [1], [0, 0, 1, 1], [], []>, transpose_lhs_hint = false} : vector<640x128xbf16>, vector<128x128xbf16>, vector<640x128xf32> -> vector<640x128xf32>
    %swap3A_80 = arith.constant 0 : index
    %swap3A_81 = arith.constant 0 : index
    %swap3A_82 = vector.load %arg14[%swap3A_80, %swap3A_81] : memref<640x128xf32, #tpu.memory_space<vmem>>, vector<640x128xf32>
    tpu.vector_store %arg14[%swap3A_80, %swap3A_81], %dot_general3A_79 {strides = array<i32>} : memref<640x128xf32, #tpu.memory_space<vmem>>, vector<640x128xf32>,
    return
  }
  func.func @transform_0(%arg0: i32) -> (i32, i32) {
    %c0_i32 = arith.constant 0 : i32
    %c0_i32_0 = arith.constant 0 : i32
    return %arg0, %c0_i32 : i32, i32
  }
  func.func @transform_1(%arg0: i32) -> (i32, i32) {
    %c0_i32 = arith.constant 0 : i32
    %c0_i32_0 = arith.constant 0 : i32
    return %arg0, %c0_i32 : i32, i32
  }
  func.func @transform_2(%arg0: i32) -> (i32, i32) {
    %c0_i32 = arith.constant 0 : i32
    %c0_i32_0 = arith.constant 0 : i32
    return %arg0, %c0_i32 : i32, i32
  }
  func.func @transform_3(%arg0: i32) -> (i32, i32) {
    %c0_i32 = arith.constant 0 : i32
    %c0_i32_0 = arith.constant 0 : i32
    %c0_i32_1 = arith.constant 0 : i32
    return %c0_i32, %c0_i32_0 : i32, i32
  }
  func.func @transform_4(%arg0: i32) -> (i32, i32) {
    %c0_i32 = arith.constant 0 : i32
    %c0_i32_0 = arith.constant 0 : i32
    %c0_i32_1 = arith.constant 0 : i32
    return %c0_i32, %c0_i32_0 : i32, i32
  }
  func.func @transform_5(%arg0: i32) -> (i32, i32) {
    %c0_i32 = arith.constant 0 : i32
    %c0_i32_0 = arith.constant 0 : i32
    %c0_i32_1 = arith.constant 0 : i32
    return %c0_i32, %c0_i32_0 : i32, i32
  }
  func.func @transform_6(%arg0: i32) -> (i32, i32) {
    %c0_i32 = arith.constant 0 : i32
    %c0_i32_0 = arith.constant 0 : i32
    %c0_i32_1 = arith.constant 0 : i32
    return %c0_i32, %c0_i32_0 : i32, i32
  }
  func.func @transform_7(%arg0: i32) -> (i32, i32) {
    %c0_i32 = arith.constant 0 : i32
    %c0_i32_0 = arith.constant 0 : i32
    %c0_i32_1 = arith.constant 0 : i32
    return %c0_i32, %c0_i32_0 : i32, i32
  }
  func.func @transform_8(%arg0: i32) -> (i32, i32) {
    %c0_i32 = arith.constant 0 : i32
    %c0_i32_0 = arith.constant 0 : i32
    %c0_i32_1 = arith.constant 0 : i32
    return %c0_i32, %c0_i32_0 : i32, i32
  }
  func.func @transform_9(%arg0: i32) -> (i32, i32) {
    %c0_i32 = arith.constant 0 : i32
    %c0_i32_0 = arith.constant 0 : i32
    %c0_i32_1 = arith.constant 0 : i32
    return %c0_i32, %c0_i32_0 : i32, i32
  }
  func.func @transform_10(%arg0: i32) -> (i32, i32) {
    %c0_i32 = arith.constant 0 : i32
    %c0_i32_0 = arith.constant 0 : i32
    %c0_i32_1 = arith.constant 0 : i32
    return %c0_i32, %c0_i32_0 : i32, i32
  }
  func.func @transform_11(%arg0: i32) -> (i32, i32) {
    %c0_i32 = arith.constant 0 : i32
    %c0_i32_0 = arith.constant 0 : i32
    %c0_i32_1 = arith.constant 0 : i32
    return %c0_i32, %c0_i32_0 : i32, i32
  }
  func.func @transform_12(%arg0: i32) -> (i32, i32) {
    %c0_i32 = arith.constant 0 : i32
    %c0_i32_0 = arith.constant 0 : i32
    return %arg0, %c0_i32 : i32, i32
  }
  func.func @transform_13(%arg0: i32) -> (i32, i32) {
    %c0_i32 = arith.constant 0 : i32
    %c0_i32_0 = arith.constant 0 : i32
    return %arg0, %c0_i32 : i32, i32
  }
}

module attributes {stable_mosaic.version = 14 : i64} {
  func.func @body(%arg0: i32, %arg1: memref<640x128xf32, #tpu.memory_space<vmem>>, %arg2: memref<640x128xf32, #tpu.memory_space<vmem>>, %arg3: memref<640x128xf32, #tpu.memory_space<vmem>>, %arg4: memref<128x128xbf16, #tpu.memory_space<vmem>>, %arg5: memref<1x128xf32, #tpu.memory_space<vmem>>, %arg6: memref<128x128xbf16, #tpu.memory_space<vmem>>, %arg7: memref<1x128xf32, #tpu.memory_space<vmem>>, %arg8: memref<128x128xbf16, #tpu.memory_space<vmem>>, %arg9: memref<1x128xf32, #tpu.memory_space<vmem>>, %arg10: memref<1x128xf32, #tpu.memory_space<vmem>>, %arg11: memref<1x128xf32, #tpu.memory_space<vmem>>, %arg12: memref<128x128xbf16, #tpu.memory_space<vmem>>, %arg13: memref<640x128xf32, #tpu.memory_space<vmem>>, %arg14: memref<640x128xf32, #tpu.memory_space<vmem>>) attributes {dimension_semantics = [#tpu.dimension_semantics<arbitrary>], iteration_bounds = array<i64: 500>, scalar_prefetch = 0 : i64, scratch_operands = 0 : i64, tpu.core_type = #tpu.core_type<tc>, window_params = [{transform_indices = @transform_0, window_bounds = array<i64: 640, 128>}, {transform_indices = @transform_1, window_bounds = array<i64: 640, 128>}, {transform_indices = @transform_2, window_bounds = array<i64: 640, 128>}, {pipeline_mode = #tpu.pipeline_mode<synchronous>, transform_indices = @transform_3, window_bounds = array<i64: 128, 128>}, {pipeline_mode = #tpu.pipeline_mode<synchronous>, transform_indices = @transform_4, window_bounds = array<i64: 1, 128>}, {pipeline_mode = #tpu.pipeline_mode<synchronous>, transform_indices = @transform_5, window_bounds = array<i64: 128, 128>}, {pipeline_mode = #tpu.pipeline_mode<synchronous>, transform_indices = @transform_6, window_bounds = array<i64: 1, 128>}, {pipeline_mode = #tpu.pipeline_mode<synchronous>, transform_indices = @transform_7, window_bounds = array<i64: 128, 128>}, {pipeline_mode = #tpu.pipeline_mode<synchronous>, transform_indices = @transform_8, window_bounds = array<i64: 1, 128>}, {pipeline_mode = #tpu.pipeline_mode<synchronous>, transform_indices = @transform_9, window_bounds = array<i64: 1, 128>}, {pipeline_mode = #tpu.pipeline_mode<synchronous>, transform_indices = @transform_10, window_bounds = array<i64: 1, 128>}, {pipeline_mode = #tpu.pipeline_mode<synchronous>, transform_indices = @transform_11, window_bounds = array<i64: 128, 128>}, {transform_indices = @transform_12, window_bounds = array<i64: 640, 128>}, {transform_indices = @transform_13, window_bounds = array<i64: 640, 128>}]} {
    %get3A = arith.constant 0 : index
    %get3A_0 = arith.constant 0 : index
    %get3A_1 = vector.load %arg3[%get3A, %get3A_0] : memref<640x128xf32, #tpu.memory_space<vmem>>, vector<640x128xf32>
    %get3A_2 = arith.constant 0 : index
    %get3A_3 = arith.constant 0 : index
    %get3A_4 = vector.load %arg1[%get3A_2, %get3A_3] : memref<640x128xf32, #tpu.memory_space<vmem>>, vector<640x128xf32>
    %get3A_5 = arith.constant 0 : index
    %get3A_6 = arith.constant 0 : index
    %get3A_7 = vector.load %arg2[%get3A_5, %get3A_6] : memref<640x128xf32, #tpu.memory_space<vmem>>, vector<640x128xf32>
    %add3A = arith.addf %get3A_4, %get3A_7 : vector<640x128xf32>
    %get3A_8 = arith.constant 0 : index
    %get3A_9 = arith.constant 0 : index
    %get3A_10 = vector.load %arg5[%get3A_8, %get3A_9] : memref<1x128xf32, #tpu.memory_space<vmem>>, vector<1x128xf32>
    %add3A_11 = vector.broadcast %get3A_10 : vector<1x128xf32> to vector<640x128xf32>
    %add3A_12 = arith.addf %add3A, %add3A_11 : vector<640x128xf32>
    %convert_element_type3A = arith.truncf %get3A_1 : vector<640x128xf32> to vector<640x128xbf16>
    %get3A_13 = arith.constant 0 : index
    %get3A_14 = arith.constant 0 : index
    %get3A_15 = vector.load %arg4[%get3A_13, %get3A_14] : memref<128x128xbf16, #tpu.memory_space<vmem>>, vector<128x128xbf16>
    %dot_general3A = arith.constant dense<0.000000e+00> : vector<640x128xf32>
    %dot_general3A_16 = tpu.matmul %convert_element_type3A, %get3A_15, %dot_general3A {dimension_numbers = #tpu.dot_dimension_numbers<[1], [0], [0], [1], [0, 0, 1, 1], [], []>, transpose_lhs_hint = false} : vector<640x128xbf16>, vector<128x128xbf16>, vector<640x128xf32> -> vector<640x128xf32>
    %add3A_17 = arith.addf %add3A_12, %dot_general3A_16 : vector<640x128xf32>
    %max3A = arith.constant 0.000000e+00 : f32
    %max3A_18 = vector.broadcast %max3A : f32 to vector<640x128xf32>
    %max3A_19 = arith.maximumf %add3A_17, %max3A_18 : vector<640x128xf32>
    %convert_element_type3A_20 = arith.truncf %max3A_19 : vector<640x128xf32> to vector<640x128xbf16>
    %get3A_21 = arith.constant 0 : index
    %get3A_22 = arith.constant 0 : index
    %get3A_23 = vector.load %arg6[%get3A_21, %get3A_22] : memref<128x128xbf16, #tpu.memory_space<vmem>>, vector<128x128xbf16>
    %dot_general3A_24 = arith.constant dense<0.000000e+00> : vector<640x128xf32>
    %dot_general3A_25 = tpu.matmul %convert_element_type3A_20, %get3A_23, %dot_general3A_24 {dimension_numbers = #tpu.dot_dimension_numbers<[1], [0], [0], [1], [0, 0, 1, 1], [], []>, transpose_lhs_hint = false} : vector<640x128xbf16>, vector<128x128xbf16>, vector<640x128xf32> -> vector<640x128xf32>
    %get3A_26 = arith.constant 0 : index
    %get3A_27 = arith.constant 0 : index
    %get3A_28 = vector.load %arg7[%get3A_26, %get3A_27] : memref<1x128xf32, #tpu.memory_space<vmem>>, vector<1x128xf32>
    %add3A_29 = vector.broadcast %get3A_28 : vector<1x128xf32> to vector<640x128xf32>
    %add3A_30 = arith.addf %dot_general3A_25, %add3A_29 : vector<640x128xf32>
    %max3A_31 = arith.constant 0.000000e+00 : f32
    %max3A_32 = vector.broadcast %max3A_31 : f32 to vector<640x128xf32>
    %max3A_33 = arith.maximumf %add3A_30, %max3A_32 : vector<640x128xf32>
    %convert_element_type3A_34 = arith.truncf %max3A_33 : vector<640x128xf32> to vector<640x128xbf16>
    %get3A_35 = arith.constant 0 : index
    %get3A_36 = arith.constant 0 : index
    %get3A_37 = vector.load %arg8[%get3A_35, %get3A_36] : memref<128x128xbf16, #tpu.memory_space<vmem>>, vector<128x128xbf16>
    %dot_general3A_38 = arith.constant dense<0.000000e+00> : vector<640x128xf32>
    %dot_general3A_39 = tpu.matmul %convert_element_type3A_34, %get3A_37, %dot_general3A_38 {dimension_numbers = #tpu.dot_dimension_numbers<[1], [0], [0], [1], [0, 0, 1, 1], [], []>, transpose_lhs_hint = false} : vector<640x128xbf16>, vector<128x128xbf16>, vector<640x128xf32> -> vector<640x128xf32>
    %get3A_40 = arith.constant 0 : index
    %get3A_41 = arith.constant 0 : index
    %get3A_42 = vector.load %arg9[%get3A_40, %get3A_41] : memref<1x128xf32, #tpu.memory_space<vmem>>, vector<1x128xf32>
    %add3A_43 = vector.broadcast %get3A_42 : vector<1x128xf32> to vector<640x128xf32>
    %add3A_44 = arith.addf %dot_general3A_39, %add3A_43 : vector<640x128xf32>
    %reduce_sum3A = arith.constant dense<0.000000e+00> : vector<640xf32>
    %reduce_sum3A_45 = vector.multi_reduction <add>, %add3A_44, %reduce_sum3A [1] : vector<640x128xf32> to vector<640xf32>
    %broadcast_in_dim3A = vector.shape_cast %reduce_sum3A_45 : vector<640xf32> to vector<640x1xf32>
    %div3A = arith.constant 1.280000e+02 : f32
    %div3A_46 = vector.broadcast %div3A : f32 to vector<640x1xf32>
    %div3A_47 = arith.divf %broadcast_in_dim3A, %div3A_46 : vector<640x1xf32>
    %sub3A = vector.broadcast %div3A_47 : vector<640x1xf32> to vector<640x128xf32>
    %sub3A_48 = arith.subf %add3A_44, %sub3A : vector<640x128xf32>
    %square3A = arith.mulf %sub3A_48, %sub3A_48 : vector<640x128xf32>
    %reduce_sum3A_49 = arith.constant dense<0.000000e+00> : vector<640xf32>
    %reduce_sum3A_50 = vector.multi_reduction <add>, %square3A, %reduce_sum3A_49 [1] : vector<640x128xf32> to vector<640xf32>
    %broadcast_in_dim3A_51 = vector.shape_cast %reduce_sum3A_50 : vector<640xf32> to vector<640x1xf32>
    %div3A_52 = arith.constant 1.280000e+02 : f32
    %div3A_53 = vector.broadcast %div3A_52 : f32 to vector<640x1xf32>
    %div3A_54 = arith.divf %broadcast_in_dim3A_51, %div3A_53 : vector<640x1xf32>
    %sub3A_55 = vector.broadcast %div3A_47 : vector<640x1xf32> to vector<640x128xf32>
    %sub3A_56 = arith.subf %add3A_44, %sub3A_55 : vector<640x128xf32>
    %add3A_57 = arith.constant 9.99999974E-6 : f32
    %add3A_58 = vector.broadcast %add3A_57 : f32 to vector<640x1xf32>
    %add3A_59 = arith.addf %div3A_54, %add3A_58 : vector<640x1xf32>
    %sqrt3A = math.sqrt %add3A_59 : vector<640x1xf32>
    %div3A_60 = vector.broadcast %sqrt3A : vector<640x1xf32> to vector<640x128xf32>
    %div3A_61 = arith.divf %sub3A_56, %div3A_60 : vector<640x128xf32>
    %get3A_62 = arith.constant 0 : index
    %get3A_63 = arith.constant 0 : index
    %get3A_64 = vector.load %arg10[%get3A_62, %get3A_63] : memref<1x128xf32, #tpu.memory_space<vmem>>, vector<1x128xf32>
    %mul3A = vector.broadcast %get3A_64 : vector<1x128xf32> to vector<640x128xf32>
    %mul3A_65 = arith.mulf %div3A_61, %mul3A : vector<640x128xf32>
    %get3A_66 = arith.constant 0 : index
    %get3A_67 = arith.constant 0 : index
    %get3A_68 = vector.load %arg11[%get3A_66, %get3A_67] : memref<1x128xf32, #tpu.memory_space<vmem>>, vector<1x128xf32>
    %add3A_69 = vector.broadcast %get3A_68 : vector<1x128xf32> to vector<640x128xf32>
    %add3A_70 = arith.addf %mul3A_65, %add3A_69 : vector<640x128xf32>
    %add3A_71 = arith.addf %add3A_70, %get3A_1 : vector<640x128xf32>
    %swap3A = arith.constant 0 : index
    %swap3A_72 = arith.constant 0 : index
    %swap3A_73 = vector.load %arg13[%swap3A, %swap3A_72] : memref<640x128xf32, #tpu.memory_space<vmem>>, vector<640x128xf32>
    tpu.vector_store %arg13[%swap3A, %swap3A_72], %add3A_71 {strides = array<i32>} : memref<640x128xf32, #tpu.memory_space<vmem>>, vector<640x128xf32>,
    %convert_element_type3A_74 = arith.truncf %add3A_70 : vector<640x128xf32> to vector<640x128xbf16>
    %get3A_75 = arith.constant 0 : index
    %get3A_76 = arith.constant 0 : index
    %get3A_77 = vector.load %arg12[%get3A_75, %get3A_76] : memref<128x128xbf16, #tpu.memory_space<vmem>>, vector<128x128xbf16>
    %dot_general3A_78 = arith.constant dense<0.000000e+00> : vector<640x128xf32>
    %dot_general3A_79 = tpu.matmul %convert_element_type3A_74, %get3A_77, %dot_general3A_78 {dimension_numbers = #tpu.dot_dimension_numbers<[1], [0], [0], [1], [0, 0, 1, 1], [], []>, transpose_lhs_hint = false} : vector<640x128xbf16>, vector<128x128xbf16>, vector<640x128xf32> -> vector<640x128xf32>
    %swap3A_80 = arith.constant 0 : index
    %swap3A_81 = arith.constant 0 : index
    %swap3A_82 = vector.load %arg14[%swap3A_80, %swap3A_81] : memref<640x128xf32, #tpu.memory_space<vmem>>, vector<640x128xf32>
    tpu.vector_store %arg14[%swap3A_80, %swap3A_81], %dot_general3A_79 {strides = array<i32>} : memref<640x128xf32, #tpu.memory_space<vmem>>, vector<640x128xf32>,
    return
  }
  func.func @transform_0(%arg0: i32) -> (i32, i32) {
    %c0_i32 = arith.constant 0 : i32
    %c0_i32_0 = arith.constant 0 : i32
    return %arg0, %c0_i32 : i32, i32
  }
  func.func @transform_1(%arg0: i32) -> (i32, i32) {
    %c0_i32 = arith.constant 0 : i32
    %c0_i32_0 = arith.constant 0 : i32
    return %arg0, %c0_i32 : i32, i32
  }
  func.func @transform_2(%arg0: i32) -> (i32, i32) {
    %c0_i32 = arith.constant 0 : i32
    %c0_i32_0 = arith.constant 0 : i32
    return %arg0, %c0_i32 : i32, i32
  }
  func.func @transform_3(%arg0: i32) -> (i32, i32) {
    %c0_i32 = arith.constant 0 : i32
    %c0_i32_0 = arith.constant 0 : i32
    %c0_i32_1 = arith.constant 0 : i32
    return %c0_i32, %c0_i32_0 : i32, i32
  }
  func.func @transform_4(%arg0: i32) -> (i32, i32) {
    %c0_i32 = arith.constant 0 : i32
    %c0_i32_0 = arith.constant 0 : i32
    %c0_i32_1 = arith.constant 0 : i32
    return %c0_i32, %c0_i32_0 : i32, i32
  }
  func.func @transform_5(%arg0: i32) -> (i32, i32) {
    %c0_i32 = arith.constant 0 : i32
    %c0_i32_0 = arith.constant 0 : i32
    %c0_i32_1 = arith.constant 0 : i32
    return %c0_i32, %c0_i32_0 : i32, i32
  }
  func.func @transform_6(%arg0: i32) -> (i32, i32) {
    %c0_i32 = arith.constant 0 : i32
    %c0_i32_0 = arith.constant 0 : i32
    %c0_i32_1 = arith.constant 0 : i32
    return %c0_i32, %c0_i32_0 : i32, i32
  }
  func.func @transform_7(%arg0: i32) -> (i32, i32) {
    %c0_i32 = arith.constant 0 : i32
    %c0_i32_0 = arith.constant 0 : i32
    %c0_i32_1 = arith.constant 0 : i32
    return %c0_i32, %c0_i32_0 : i32, i32
  }
  func.func @transform_8(%arg0: i32) -> (i32, i32) {
    %c0_i32 = arith.constant 0 : i32
    %c0_i32_0 = arith.constant 0 : i32
    %c0_i32_1 = arith.constant 0 : i32
    return %c0_i32, %c0_i32_0 : i32, i32
  }
  func.func @transform_9(%arg0: i32) -> (i32, i32) {
    %c0_i32 = arith.constant 0 : i32
    %c0_i32_0 = arith.constant 0 : i32
    %c0_i32_1 = arith.constant 0 : i32
    return %c0_i32, %c0_i32_0 : i32, i32
  }
  func.func @transform_10(%arg0: i32) -> (i32, i32) {
    %c0_i32 = arith.constant 0 : i32
    %c0_i32_0 = arith.constant 0 : i32
    %c0_i32_1 = arith.constant 0 : i32
    return %c0_i32, %c0_i32_0 : i32, i32
  }
  func.func @transform_11(%arg0: i32) -> (i32, i32) {
    %c0_i32 = arith.constant 0 : i32
    %c0_i32_0 = arith.constant 0 : i32
    %c0_i32_1 = arith.constant 0 : i32
    return %c0_i32, %c0_i32_0 : i32, i32
  }
  func.func @transform_12(%arg0: i32) -> (i32, i32) {
    %c0_i32 = arith.constant 0 : i32
    %c0_i32_0 = arith.constant 0 : i32
    return %arg0, %c0_i32 : i32, i32
  }
  func.func @transform_13(%arg0: i32) -> (i32, i32) {
    %c0_i32 = arith.constant 0 : i32
    %c0_i32_0 = arith.constant 0 : i32
    return %arg0, %c0_i32 : i32, i32
  }
}

module attributes {stable_mosaic.version = 14 : i64} {
  func.func @body(%arg0: i32, %arg1: memref<2000x128xf32, #tpu.memory_space<vmem>>, %arg2: memref<2000x128xf32, #tpu.memory_space<vmem>>, %arg3: memref<1x2000x128xf32, #tpu.memory_space<vmem>>, %arg4: memref<1x2000x128xf32, #tpu.memory_space<vmem>>, %arg5: memref<1x128xf32, #tpu.memory_space<vmem>>, %arg6: memref<128x128xf32, #tpu.memory_space<vmem>>, %arg7: memref<1x128xf32, #tpu.memory_space<vmem>>, %arg8: memref<128x128xf32, #tpu.memory_space<vmem>>, %arg9: memref<1x128xf32, #tpu.memory_space<vmem>>, %arg10: memref<1x128xf32, #tpu.memory_space<vmem>>, %arg11: memref<1x128xf32, #tpu.memory_space<vmem>>, %arg12: memref<2000x128xf32, #tpu.memory_space<vmem>>) attributes {dimension_semantics = [#tpu.dimension_semantics<arbitrary>], iteration_bounds = array<i64: 5>, scalar_prefetch = 0 : i64, scratch_operands = 0 : i64, tpu.core_type = #tpu.core_type<tc>, window_params = [{transform_indices = @transform_0, window_bounds = array<i64: 2000, 128>}, {transform_indices = @transform_1, window_bounds = array<i64: 2000, 128>}, {transform_indices = @transform_2, window_bounds = array<i64: 1, 2000, 128>}, {transform_indices = @transform_3, window_bounds = array<i64: 1, 2000, 128>}, {pipeline_mode = #tpu.pipeline_mode<synchronous>, transform_indices = @transform_4, window_bounds = array<i64: 1, 128>}, {pipeline_mode = #tpu.pipeline_mode<synchronous>, transform_indices = @transform_5, window_bounds = array<i64: 128, 128>}, {pipeline_mode = #tpu.pipeline_mode<synchronous>, transform_indices = @transform_6, window_bounds = array<i64: 1, 128>}, {pipeline_mode = #tpu.pipeline_mode<synchronous>, transform_indices = @transform_7, window_bounds = array<i64: 128, 128>}, {pipeline_mode = #tpu.pipeline_mode<synchronous>, transform_indices = @transform_8, window_bounds = array<i64: 1, 128>}, {pipeline_mode = #tpu.pipeline_mode<synchronous>, transform_indices = @transform_9, window_bounds = array<i64: 1, 128>}, {pipeline_mode = #tpu.pipeline_mode<synchronous>, transform_indices = @transform_10, window_bounds = array<i64: 1, 128>}, {transform_indices = @transform_11, window_bounds = array<i64: 2000, 128>}]} {
    %get3A = arith.constant 0 : index
    %get3A_0 = arith.constant 0 : index
    %get3A_1 = vector.load %arg2[%get3A, %get3A_0] : memref<2000x128xf32, #tpu.memory_space<vmem>>, vector<2000x128xf32>
    %get3A_2 = arith.constant 0 : index
    %get3A_3 = arith.constant 0 : index
    %get3A_4 = arith.constant 0 : index
    %get3A_5 = vector.load %arg3[%get3A_2, %get3A_3, %get3A_4] : memref<1x2000x128xf32, #tpu.memory_space<vmem>>, vector<1x2000x128xf32>
    %get3A_6 = vector.shape_cast %get3A_5 : vector<1x2000x128xf32> to vector<2000x128xf32>
    %add3A = arith.addf %get3A_1, %get3A_6 : vector<2000x128xf32>
    %get3A_7 = arith.constant 0 : index
    %get3A_8 = arith.constant 0 : index
    %get3A_9 = arith.constant 0 : index
    %get3A_10 = vector.load %arg4[%get3A_7, %get3A_8, %get3A_9] : memref<1x2000x128xf32, #tpu.memory_space<vmem>>, vector<1x2000x128xf32>
    %get3A_11 = vector.shape_cast %get3A_10 : vector<1x2000x128xf32> to vector<2000x128xf32>
    %add3A_12 = arith.addf %add3A, %get3A_11 : vector<2000x128xf32>
    %get3A_13 = arith.constant 0 : index
    %get3A_14 = arith.constant 0 : index
    %get3A_15 = vector.load %arg5[%get3A_13, %get3A_14] : memref<1x128xf32, #tpu.memory_space<vmem>>, vector<1x128xf32>
    %add3A_16 = vector.broadcast %get3A_15 : vector<1x128xf32> to vector<2000x128xf32>
    %add3A_17 = arith.addf %add3A_12, %add3A_16 : vector<2000x128xf32>
    %max3A = arith.constant 0.000000e+00 : f32
    %max3A_18 = vector.broadcast %max3A : f32 to vector<2000x128xf32>
    %max3A_19 = arith.maximumf %add3A_17, %max3A_18 : vector<2000x128xf32>
    %get3A_20 = arith.constant 0 : index
    %get3A_21 = arith.constant 0 : index
    %get3A_22 = vector.load %arg6[%get3A_20, %get3A_21] : memref<128x128xf32, #tpu.memory_space<vmem>>, vector<128x128xf32>
    %dot_general3A = arith.constant dense<0.000000e+00> : vector<2000x128xf32>
    %dot_general3A_23 = tpu.matmul %max3A_19, %get3A_22, %dot_general3A {dimension_numbers = #tpu.dot_dimension_numbers<[1], [0], [0], [1], [0, 0, 1, 1], [], []>, transpose_lhs_hint = false} : vector<2000x128xf32>, vector<128x128xf32>, vector<2000x128xf32> -> vector<2000x128xf32>
    %get3A_24 = arith.constant 0 : index
    %get3A_25 = arith.constant 0 : index
    %get3A_26 = vector.load %arg7[%get3A_24, %get3A_25] : memref<1x128xf32, #tpu.memory_space<vmem>>, vector<1x128xf32>
    %add3A_27 = vector.broadcast %get3A_26 : vector<1x128xf32> to vector<2000x128xf32>
    %add3A_28 = arith.addf %dot_general3A_23, %add3A_27 : vector<2000x128xf32>
    %max3A_29 = arith.constant 0.000000e+00 : f32
    %max3A_30 = vector.broadcast %max3A_29 : f32 to vector<2000x128xf32>
    %max3A_31 = arith.maximumf %add3A_28, %max3A_30 : vector<2000x128xf32>
    %get3A_32 = arith.constant 0 : index
    %get3A_33 = arith.constant 0 : index
    %get3A_34 = vector.load %arg8[%get3A_32, %get3A_33] : memref<128x128xf32, #tpu.memory_space<vmem>>, vector<128x128xf32>
    %dot_general3A_35 = arith.constant dense<0.000000e+00> : vector<2000x128xf32>
    %dot_general3A_36 = tpu.matmul %max3A_31, %get3A_34, %dot_general3A_35 {dimension_numbers = #tpu.dot_dimension_numbers<[1], [0], [0], [1], [0, 0, 1, 1], [], []>, transpose_lhs_hint = false} : vector<2000x128xf32>, vector<128x128xf32>, vector<2000x128xf32> -> vector<2000x128xf32>
    %get3A_37 = arith.constant 0 : index
    %get3A_38 = arith.constant 0 : index
    %get3A_39 = vector.load %arg9[%get3A_37, %get3A_38] : memref<1x128xf32, #tpu.memory_space<vmem>>, vector<1x128xf32>
    %add3A_40 = vector.broadcast %get3A_39 : vector<1x128xf32> to vector<2000x128xf32>
    %add3A_41 = arith.addf %dot_general3A_36, %add3A_40 : vector<2000x128xf32>
    %reduce_sum3A = arith.constant dense<0.000000e+00> : vector<2000xf32>
    %reduce_sum3A_42 = vector.multi_reduction <add>, %add3A_41, %reduce_sum3A [1] : vector<2000x128xf32> to vector<2000xf32>
    %broadcast_in_dim3A = vector.shape_cast %reduce_sum3A_42 : vector<2000xf32> to vector<2000x1xf32>
    %div3A = arith.constant 1.280000e+02 : f32
    %div3A_43 = vector.broadcast %div3A : f32 to vector<2000x1xf32>
    %div3A_44 = arith.divf %broadcast_in_dim3A, %div3A_43 : vector<2000x1xf32>
    %sub3A = vector.broadcast %div3A_44 : vector<2000x1xf32> to vector<2000x128xf32>
    %sub3A_45 = arith.subf %add3A_41, %sub3A : vector<2000x128xf32>
    %square3A = arith.mulf %sub3A_45, %sub3A_45 : vector<2000x128xf32>
    %reduce_sum3A_46 = arith.constant dense<0.000000e+00> : vector<2000xf32>
    %reduce_sum3A_47 = vector.multi_reduction <add>, %square3A, %reduce_sum3A_46 [1] : vector<2000x128xf32> to vector<2000xf32>
    %broadcast_in_dim3A_48 = vector.shape_cast %reduce_sum3A_47 : vector<2000xf32> to vector<2000x1xf32>
    %div3A_49 = arith.constant 1.280000e+02 : f32
    %div3A_50 = vector.broadcast %div3A_49 : f32 to vector<2000x1xf32>
    %div3A_51 = arith.divf %broadcast_in_dim3A_48, %div3A_50 : vector<2000x1xf32>
    %sub3A_52 = vector.broadcast %div3A_44 : vector<2000x1xf32> to vector<2000x128xf32>
    %sub3A_53 = arith.subf %add3A_41, %sub3A_52 : vector<2000x128xf32>
    %add3A_54 = arith.constant 9.99999974E-6 : f32
    %add3A_55 = vector.broadcast %add3A_54 : f32 to vector<2000x1xf32>
    %add3A_56 = arith.addf %div3A_51, %add3A_55 : vector<2000x1xf32>
    %sqrt3A = math.sqrt %add3A_56 : vector<2000x1xf32>
    %div3A_57 = vector.broadcast %sqrt3A : vector<2000x1xf32> to vector<2000x128xf32>
    %div3A_58 = arith.divf %sub3A_53, %div3A_57 : vector<2000x128xf32>
    %get3A_59 = arith.constant 0 : index
    %get3A_60 = arith.constant 0 : index
    %get3A_61 = vector.load %arg10[%get3A_59, %get3A_60] : memref<1x128xf32, #tpu.memory_space<vmem>>, vector<1x128xf32>
    %mul3A = vector.broadcast %get3A_61 : vector<1x128xf32> to vector<2000x128xf32>
    %mul3A_62 = arith.mulf %div3A_58, %mul3A : vector<2000x128xf32>
    %get3A_63 = arith.constant 0 : index
    %get3A_64 = arith.constant 0 : index
    %get3A_65 = vector.load %arg11[%get3A_63, %get3A_64] : memref<1x128xf32, #tpu.memory_space<vmem>>, vector<1x128xf32>
    %add3A_66 = vector.broadcast %get3A_65 : vector<1x128xf32> to vector<2000x128xf32>
    %add3A_67 = arith.addf %mul3A_62, %add3A_66 : vector<2000x128xf32>
    %get3A_68 = arith.constant 0 : index
    %get3A_69 = arith.constant 0 : index
    %get3A_70 = vector.load %arg1[%get3A_68, %get3A_69] : memref<2000x128xf32, #tpu.memory_space<vmem>>, vector<2000x128xf32>
    %add3A_71 = arith.addf %add3A_67, %get3A_70 : vector<2000x128xf32>
    %swap3A = arith.constant 0 : index
    %swap3A_72 = arith.constant 0 : index
    %swap3A_73 = vector.load %arg12[%swap3A, %swap3A_72] : memref<2000x128xf32, #tpu.memory_space<vmem>>, vector<2000x128xf32>
    tpu.vector_store %arg12[%swap3A, %swap3A_72], %add3A_71 {strides = array<i32>} : memref<2000x128xf32, #tpu.memory_space<vmem>>, vector<2000x128xf32>,
    return
  }
  func.func @transform_0(%arg0: i32) -> (i32, i32) {
    %c0_i32 = arith.constant 0 : i32
    %c0_i32_0 = arith.constant 0 : i32
    return %arg0, %c0_i32 : i32, i32
  }
  func.func @transform_1(%arg0: i32) -> (i32, i32) {
    %c0_i32 = arith.constant 0 : i32
    %c0_i32_0 = arith.constant 0 : i32
    return %arg0, %c0_i32 : i32, i32
  }
  func.func @transform_2(%arg0: i32) -> (i32, i32, i32) {
    %c0_i32 = arith.constant 0 : i32
    %c0_i32_0 = arith.constant 0 : i32
    %c0_i32_1 = arith.constant 0 : i32
    return %c0_i32, %arg0, %c0_i32_0 : i32, i32, i32
  }
  func.func @transform_3(%arg0: i32) -> (i32, i32, i32) {
    %c1_i32 = arith.constant 1 : i32
    %c0_i32 = arith.constant 0 : i32
    %c0_i32_0 = arith.constant 0 : i32
    return %c1_i32, %arg0, %c0_i32 : i32, i32, i32
  }
  func.func @transform_4(%arg0: i32) -> (i32, i32) {
    %c0_i32 = arith.constant 0 : i32
    %c0_i32_0 = arith.constant 0 : i32
    %c0_i32_1 = arith.constant 0 : i32
    return %c0_i32, %c0_i32_0 : i32, i32
  }
  func.func @transform_5(%arg0: i32) -> (i32, i32) {
    %c0_i32 = arith.constant 0 : i32
    %c0_i32_0 = arith.constant 0 : i32
    %c0_i32_1 = arith.constant 0 : i32
    return %c0_i32, %c0_i32_0 : i32, i32
  }
  func.func @transform_6(%arg0: i32) -> (i32, i32) {
    %c0_i32 = arith.constant 0 : i32
    %c0_i32_0 = arith.constant 0 : i32
    %c0_i32_1 = arith.constant 0 : i32
    return %c0_i32, %c0_i32_0 : i32, i32
  }
  func.func @transform_7(%arg0: i32) -> (i32, i32) {
    %c0_i32 = arith.constant 0 : i32
    %c0_i32_0 = arith.constant 0 : i32
    %c0_i32_1 = arith.constant 0 : i32
    return %c0_i32, %c0_i32_0 : i32, i32
  }
  func.func @transform_8(%arg0: i32) -> (i32, i32) {
    %c0_i32 = arith.constant 0 : i32
    %c0_i32_0 = arith.constant 0 : i32
    %c0_i32_1 = arith.constant 0 : i32
    return %c0_i32, %c0_i32_0 : i32, i32
  }
  func.func @transform_9(%arg0: i32) -> (i32, i32) {
    %c0_i32 = arith.constant 0 : i32
    %c0_i32_0 = arith.constant 0 : i32
    %c0_i32_1 = arith.constant 0 : i32
    return %c0_i32, %c0_i32_0 : i32, i32
  }
  func.func @transform_10(%arg0: i32) -> (i32, i32) {
    %c0_i32 = arith.constant 0 : i32
    %c0_i32_0 = arith.constant 0 : i32
    %c0_i32_1 = arith.constant 0 : i32
    return %c0_i32, %c0_i32_0 : i32, i32
  }
  func.func @transform_11(%arg0: i32) -> (i32, i32) {
    %c0_i32 = arith.constant 0 : i32
    %c0_i32_0 = arith.constant 0 : i32
    return %arg0, %c0_i32 : i32, i32
  }
}

</mosaic_0001>

<sc_bundles>
// kernel: kernel.12.cloned.1.call-start
scs
__scs_entry_jumppad:
0x0: {  	(pc) =	sbr.rel $0x88, $3  }
0x1: {  	(tag) =	ssettag $0x0;
	lr =	simm.s32 $0x1  }
0x2: {  	[smem:$0x3F82] =	sst lr;
	_ =	strace $0xD0000000  }
0x3: {  	_ = 	snop  }
0x4: {  	_ = 	snop  }
0x5: {  	_ = 	snop  }
0x6: {  	_ = 	snop  }
0x7: {  	_ = 	snop  }
__scs_overlays_trampoline_lowered:
0x8: {  	[smem:$0x3F91] =	sst s0  }
0x9: {  	[smem:$0x3F92] =	sst s1  }
0xa: {  	[smem:$0x3F93] =	sst s2  }
0xb: {  	[smem:$0x3F94] =	sst s3  }
0xc: {  	[smem:$0x3F95] =	sst s4  }
0xd: {  	[smem:$0x3F96] =	sst s5  }
0xe: {  	[smem:$0x3F97] =	sst s6  }
0xf: {  	[smem:$0x3F98] =	sst s7  }
0x10: {  	[smem:$0x3F99] =	sst s8  }
0x11: {  	[smem:$0x3F9A] =	sst s9;
	s0 =	simm.s32 @!p0 $0x0  }
0x12: {  	s1 =	sld [smem:$0x3F80];
	s0 =	simm.s32 @p0 $0x1  }
0x13: {  	[smem:$0x3F9B] =	sst s0;
	s0 =	simm.s32 @!p1 $0x0  }
0x14: {  	s2 =	sld [smem:$0x3F7F];
	s0 =	simm.s32 @p1 $0x1  }
0x15: {  	[smem:$0x3F9C] =	sst s0;
	s0 =	simm.s32 @!p2 $0x0  }
0x16: {  	s3 =	sld [smem:$0x3FDB];
	s0 =	simm.s32 @p2 $0x1  }
0x17: {  	s4 =	simm.s32 $0x1BF5;
	[smem:$0x3F9E] =	sst s0  }
0x18: {  	s0 =	sld [smem:$0x3F81];
	_ =	swait.ge [sflag:s4], $0x0  }
0x19: {  	s7 =	sld [smem:$0x3F82]  }
0x1a: {  	s8 =	sadd.s32 $0xFFFFE003, lr  }
0x1b: {  	s9 =	sadd.s32 $0xFFFFFEF7, lr;
	s5 =	simm.s32 $0xFFFFFFFF;
	p2 =	slt.u32 s8, $0xFFFFF086  }
0x1c: {  	p1 =	slt.u32 s9, $0xF7A;
	s5 =	simm.s32 @!p2 $0x0  }
0x1d: {  	s5 =	simm.s32 @p1 $0x1;
	p0 =	seq.s32 s7, s2  }
0x1e: {  	s7 =	smul.u32 @!p0 $0xF7A, s2;
	p2 =	seq.s32 @!p0 s5, $0x0  }
0x1f: {  	s9 =	smul.u32 $0xF7A, s1;
	s8 =	simm.s32 @!p0 $0x1BF5;
	p2 =	por !p2, p0  }
0x20: {  	[sflag:s8] =	ssyncset.s32 @!p0 $0xFFFFF086;
	s6 =	sadd.s32 @!p0 s3, s7;
	s7 =	simm.s32 @!p0 $0x108  }
0x21: {  	s3 =	sadd.s32 s3, s9;
	s6 =	sadd.s32 @!p0 $0x88, s6;
	s7 =	simm.s32 @p2 $0x1082  }
0x22: {  	[simem:s7], [sflag:s8] =	dma.local @!p0 [hbm:s6], $0xF7A  }
0x23: {  	s9 =	sor.u32 $0xD0000000, s2;
	s6 =	simm.s32 $0x108;
	_ =	swait.ge @!p0 [sflag:s8], $0x0  }
0x24: {  	s3 =	sadd.s32 $0x88, s3;
	s6 =	simm.s32 @!p1 $0x1082;
	[sflag:s4] =	ssyncset.s32 $0xFFFFF086  }
0x25: {  	[simem:s6], [sflag:s4] =	dma.local [hbm:s3], $0xF7A  }
0x26: {  	[smem:$0x3F82] =	sst s1;
	(tag) =	ssettag s2;
	_ =	strace s9  }
0x27: {  	s1 =	sld [smem:$0x3F92]  }
0x28: {  	s2 =	sld [smem:$0x3F93]  }
0x29: {  	s4 =	sld [smem:$0x3F95]  }
0x2a: {  	p0 =	seq.s32 s5, $0x0;
	s5 =	sld [smem:$0x3F96]  }
0x2b: {  	s6 =	sld [smem:$0x3F97]  }
0x2c: {  	s7 =	sld [smem:$0x3F98]  }
0x2d: {  	s3 =	simm.s32 $0x108;
	s8 =	sld [smem:$0x3F99]  }
0x2e: {  	s3 =	simm.s32 @!p0 $0x1082;
	s9 =	sld [smem:$0x3F9A]  }
0x2f: {  	lr =	sadd.s32 s0, s3;
	s0 =	sld [smem:$0x3F91]  }
0x30: {  	s3 =	sld [smem:$0x3F94]  }
0x31: {  	[smem:$0x3F9D] =	sst s10  }
0x32: {  	s10 =	sld [smem:$0x3F9B];
	_ =	sdelay $0x3  }
0x33: {  	p0 =	seq.s32 s10, $0x1;
	s10 =	sld [smem:$0x3F9D];
	_ =	sdelay $0x3  }
0x34: {  	[smem:$0x3F9D] =	sst s10  }
0x35: {  	s10 =	sld [smem:$0x3F9C];
	_ =	sdelay $0x3  }
0x36: {  	p1 =	seq.s32 s10, $0x1;
	s10 =	sld [smem:$0x3F9D];
	_ =	sdelay $0x3  }
0x37: {  	[smem:$0x3F9D] =	sst s10  }
0x38: {  	s10 =	sld [smem:$0x3F9E]  }
0x39: {  	_ = 	snop;
	(pc) =	sbr.ind lr, $3  }
0x3a: {  	_ = 	snop  }
0x3b: {  	_ = 	snop  }
0x3c: {  	p2 =	seq.s32 s10, $0x1;
	s10 =	sld [smem:$0x3F9D]  }
0x3d: {  	_ =	shalt  }
0x3e: {  	_ =	shalt  }
0x3f: {  	_ =	shalt  }
0x40: {  	_ =	shalt  }
0x41: {  	_ =	shalt  }
0x42: {  	_ =	shalt  }
0x43: {  	_ =	shalt  }
0x44: {  	_ =	shalt  }
0x45: {  	_ =	shalt  }
0x46: {  	_ =	shalt  }
0x47: {  	_ =	shalt  }
0x48: {  	_ =	shalt  }
0x49: {  	_ =	shalt  }
0x4a: {  	_ =	shalt  }
0x4b: {  	_ =	shalt  }
0x4c: {  	_ =	shalt  }
0x4d: {  	_ =	shalt  }
0x4e: {  	_ =	shalt  }
0x4f: {  	_ =	shalt  }
0x50: {  	_ =	shalt  }
0x51: {  	_ =	shalt  }
0x52: {  	_ =	shalt  }
0x53: {  	_ =	shalt  }
0x54: {  	_ =	shalt  }
0x55: {  	_ =	shalt  }
0x56: {  	_ =	shalt  }
0x57: {  	_ =	shalt  }
0x58: {  	_ =	shalt  }
0x59: {  	_ =	shalt  }
0x5a: {  	_ =	shalt  }
0x5b: {  	_ =	shalt  }
0x5c: {  	_ =	shalt  }
0x5d: {  	_ =	shalt  }
0x5e: {  	_ =	shalt  }
0x5f: {  	_ =	shalt  }
0x60: {  	_ =	shalt  }
0x61: {  	_ =	shalt  }
0x62: {  	_ =	shalt  }
0x63: {  	_ =	shalt  }
0x64: {  	_ =	shalt  }
0x65: {  	_ =	shalt  }
0x66: {  	_ =	shalt  }
0x67: {  	_ =	shalt  }
0x68: {  	_ =	shalt  }
0x69: {  	_ =	shalt  }
0x6a: {  	_ =	shalt  }
0x6b: {  	_ =	shalt  }
0x6c: {  	_ =	shalt  }
0x6d: {  	_ =	shalt  }
0x6e: {  	_ =	shalt  }
0x6f: {  	_ =	shalt  }
0x70: {  	_ =	shalt  }
0x71: {  	_ =	shalt  }
0x72: {  	_ =	shalt  }
0x73: {  	_ =	shalt  }
0x74: {  	_ =	shalt  }
0x75: {  	_ =	shalt  }
0x76: {  	_ =	shalt  }
0x77: {  	_ =	shalt  }
0x78: {  	_ =	shalt  }
0x79: {  	_ =	shalt  }
0x7a: {  	_ =	shalt  }
0x7b: {  	_ =	shalt  }
0x7c: {  	_ =	shalt  }
0x7d: {  	_ =	shalt  }
0x7e: {  	_ =	shalt  }
0x7f: {  	_ =	shalt  }
0x80: {  	_ =	shalt  }
0x81: {  	_ =	shalt  }
0x82: {  	_ =	shalt  }
0x83: {  	_ =	shalt  }
0x84: {  	_ =	shalt  }
0x85: {  	_ =	shalt  }
0x86: {  	_ =	shalt  }
0x87: {  	_ =	shalt  }
.Lfunc_end0:
.L_simem_size_0:
called_computation.1_lowered:
.L_overlay_start_0:
0x88: {  	s2 =	sld [smem:$0x3FD9]  }
0x89: {  	s3 =	sld [smem:$0x3FFE];
	_ =	sdelay $0x1  }
0x8a: {  	s1 =	srdreg.scid  }
0x8b: {  	s0 =	sand.u32 $0x1, s1  }
0x8c: {  	s17 =	sshll.u32 s0, $0xA;
	s2 =	sadd.s32 s3, s2  }
0x8d: {  	s2 =	sadd.s32 s2, s17  }
0x8e: {  	[smem:$0x3FA9] =	sst s2  }
0x8f: {  	_ = 	snop  }
0x90: {  	s18 =	sld [smem:$0x3FC5]  }
0x91: {  	s4 =	sld [smem:$0x3FC4];
	(tm) =	ssettm $0x1  }
0x92: {  	s19 =	sld [smem:$0x3FFB];
	_ =	sdelay $0x3  }
0x93: {  	_ =	strace s19  }
0x94: {  	s2 =	sld [smem:$0x3FFC];
	_ =	sdelay $0x3  }
0x95: {  	_ =	strace s2  }
0x96: {  	s2 =	sld [smem:$0x3FFD];
	_ =	sdelay $0x3  }
0x97: {  	_ =	strace s2  }
0x98: {  	_ =	strace $0x8FFFFFFF  }
0x99: {  	s20 =	sld [smem:$0x3FDB];
	_ =	sdelay $0x1  }
0x9a: {  	s5 =	simm.s32 $_scs_section_size  }
0x9b: {  	s6 =	simm.s32 $_size__tile_overlayer_lowered;
	s7 =	simm.s32 $_tile_overlayer_lowered  }
0x9c: {  	s8 =	simm.s32 $0x1BFF;
	s21 =	sshll.u32 s7, $0x1;
	s5 =	sadd.s32 s5, s20  }
0x9d: {  	s22 =	simm.s32 $0x0;
	s6 =	sshll.u32 s6, $0x1;
	s7 =	sadd.s32 s21, s5  }
0x9e: {  	[timem:s22], [sflag:s8] =	dma.local [hbm:s7], s6  }
0x9f: {  	_ =	swait.ge [sflag:s8], s6  }
0xa0: {  	s6 =	ssub.s32 $0x0, s6;
	[sflag:s8] =	ssyncset.done $0x0  }
0xa1: {  	[sflag:s8] =	ssyncadd.s32 s6;
	_ =	sdelay $0x1  }
0xa2: {  	s23 =	simm.s32 $0x1B8B  }
0xa3: {  	_ =	swait.ge [sflag:s23], $0x1  }
0xa4: {  	[sflag:s23] =	ssyncset.done $0x0  }
0xa5: {  	[sflag:s23] =	ssyncadd.s32 $0xFFFFFFFF  }
0xa6: {  	s6 =	sld [smem:$0x0]  }
0xa7: {  	s7 =	sand.u32 $0xFFFFFFFE, s1  }
0xa8: {  	p0 =	sne.s32 s1, s7  }
0xa9: {  	s7 =	sshll.u32 @p0 s7, $0xE  }
0xaa: {  	s7 =	sadd.s32 @p0 $0x11B8D, s7;
	s8 =	sshll.u32 @p0 s6, $0x11  }
0xab: {  	s7 =	sor.u32 @p0 s8, s7  }
0xac: {  	[sflag:s7] =	ssyncadd.remote.s32 @p0 $0x1;
	_ =	sdelay $0x1  }
0xad: {  	s7 =	simm.s32 @p0 $0x1B8D  }
0xae: {  	_ =	swait.eq @p0 [sflag:s7], $0x1  }
0xaf: {  	[sflag:s7] =	ssyncadd.s32 @p0 $0xFFFFFFFF  }
0xb0: {  	s8 =	sshll.u32 @!p0 s1, $0xE  }
0xb1: {  	s8 =	sor.u32 @!p0 $0x4000, s8;
	s7 =	simm.s32 @!p0 $0x1B8D  }
0xb2: {  	s6 =	sshll.u32 @!p0 s6, $0x11;
	s8 =	sadd.s32 @!p0 $0x11B8D, s8;
	_ =	swait.eq @!p0 [sflag:s7], $0x1  }
0xb3: {  	s6 =	sor.u32 @!p0 s6, s8;
	[sflag:s7] =	ssyncadd.s32 @!p0 $0xFFFFFFFF  }
0xb4: {  	s25 =	simm.s32 $0x1B8E;
	s24 =	sld [smem:$0x3FFE];
	[sflag:s6] =	ssyncadd.remote.s32 @!p0 $0x1  }
0xb5: {  	s26 =	simm.s32 $execute0_lowered;
	[smem:$0x3FD2] =	sst s25  }
0xb6: {  	s7 =	sshll.u32 s26, $0x1;
	_ =	strace $0x80000049;
	[dreg:$0x1] =	wrdreg $0xFFFFFFFF  }
0xb7: {  	s28 =	simm.s32 $_size_execute0_lowered;
	s5 =	sadd.s32 s5, s7;
	[dreg:$0x0] =	wrdreg $0x0  }
0xb8: {  	s7 =	sshll.u32 s28, $0x1;
	[dreg:$0x2] =	wrdreg s5  }
0xb9: {  	[dreg:$0x3] =	wrdreg s7  }
0xba: {  	[dreg:$0x4] =	wrdreg $0xC0  }
0xbb: {  	_ =	task [dreg:s22], $0x5FFFF  }
0xbc: {  	[dreg:$0x1] =	wrdreg $0xFFFFFFFF  }
0xbd: {  	[dreg:$0x0] =	wrdreg $0x60  }
0xbe: {  	[dreg:$0x2] =	wrdreg s24  }
0xbf: {  	[dreg:$0x3] =	wrdreg s18  }
0xc0: {  	[dreg:$0x4] =	wrdreg s4  }
0xc1: {  	[dreg:$0x5] =	wrdreg $0xA  }
0xc2: {  	_ =	task.clear_ibuf [dreg:s22], $0x6FFFF;
	_ =	strace $0x90000049  }
0xc3: {  	s29 =	simm.s32 $0xA;
	_ =	strace $0x8000004B  }
0xc4: {  	_ =	swait.ge [sflag:s29], $0x1  }
0xc5: {  	[sflag:s29] =	ssyncadd.s32 $0xFFFFFFFF  }
0xc6: {  	_ =	strace $0x9000004B  }
0xc7: {  	_ =	sfence  }
0xc8: {  	s30 =	sld [smem:$0x0];
	_ =	sdelay $0x2  }
0xc9: {  	s31 =	sshll.u32 s1, $0xD;
	s1 =	sshrl.u32 s1, $0x2  }
0xca: {  	s4 =	sand.u32 $0x4000, s31;
	s1 =	sadd.s32 s1, s30  }
0xcb: {  	s0 =	sor.u32 s4, s0;
	s1 =	sshll.u32 s1, $0x11  }
0xcc: {  	s0 =	sor.u32 s1, s0  }
0xcd: {  	s0 =	sadd.s32 $0x8F2B, s0  }
0xce: {  	[sflag:s0] =	ssyncadd.remote.s32 $0x1  }
0xcf: {  	_ =	sfence.sel $0xFFFF  }
0xd0: {  	[dreg:$0x0] =	wrdreg $0xFFFFFFFF;
	(pc) =	sbr.abs _section_cstart, $3  }
0xd1: {  	[dreg:$0x1] =	wrdreg $0xFFFFFFFF  }
0xd2: {  	_ =	task.clear_ibuf [dreg:s22], $0x2FFFF;
	_ =	strace $0x9FFFFFFF  }
0xd3: {  	(tm) =	ssettm $0x7FFFFFFF  }
tec
execute0_lowered:
.L_overlay_start_1:
0x0: {  	(tag) =	ssettag $0x1  }
0x1: {  	s5 =	rddreg [dreg:$0x0]  }
0x2: {  	s8 =	rddreg [dreg:$0x1]  }
0x3: {  	s7 =	rddreg [dreg:$0x2]  }
0x4: {  	s0 =	rddreg [dreg:$0x3];
	s1 =	simm.s32 $0x0  }
0x5: {  	s4 =	srdreg.scid;
	s2 =	stileid.u32;
	s14 =	simm.s32 $0x4100  }
0x6: {  	s15 =	simm.s32 $0x1;
	s16 =	simm.s32 $0x2;
	s17 =	simm.s32 $0x0  }
0x7: {  	[smem:$0x7FF] =	sst s1;
	s3 =	sadd.s32 $0x5800, s5;
	s9 =	sand.u32 $0x1, s4  }
0x8: {  	s4 =	sadd.s32 $0x2CA00, s5;
	s6 =	sshll.u32 s2, $0xC;
	p0 =	seq.s32 s2, $0x0  }
0x9: {  	s12 =	sshll.u32 s2, $0x8;
	_ =	strace $0x8000004A;
	s10 =	ssub.s32 $0x2, s9  }
0xa: {  	s11 =	sadd.s32 s6, s5;
	s5 =	simm.s32 $0x28;
	s13 =	sshll.u32 s9, $0x7  }
0xb: {  	s9 =	sshll.u32 s9, $0xB;
	s29 =	sshrl.u32 s10, $0x1;
	s5 =	simm.s32 @!p0 $0x27  }
0xc: {  	s30 =	sor.u32 s13, s12;
	s31 =	sadd.s32 s9, s11;
	s11 =	simm.s32 $0x3  }
0xd: {  	s12 =	simm.s32 $0x80;
	s13 =	simm.s32 $0x100;
	s6 =	ssub.s32 s10, s29  }
0xe: {  	s10 =	sshrl.u32 s30, $0x3;
	s9 =	sadd.s32 $0xA17C00, s31;
	s6 =	smax.u32 s6, $0x1  }
0xf: {  	s7 =	sadd.s32 s10, s7;
	s8 =	sadd.s32 s10, s8;
	s10 =	sadd.s32 $0xC88C00, s31  }
.LBB2_1:
0x10: {  	[tilespmem:s1], [sflag:$0x3] =	stream.linear.gather [hbm4b:s8+s1], $0x80, $0x38;
	[tilespmem:$0x8100] =	vst v63  }
0x11: {  	_ =	swait.ge [sflag:s11], $0x80  }
0x12: {  	[sflag:s11] =	ssyncset.done $0x0  }
0x13: {  	[sflag:s11] =	ssyncadd.s32 $0xFFFFFF80  }
0x14: {  	[tilespmem:s12], [sflag:$0x3] =	stream.linear.gather [hbm4b:s7+s1], $0x80, $0x38;
	[tilespmem:$0x8100] =	vst v63  }
0x15: {  	_ =	swait.ge [sflag:s11], $0x80  }
0x16: {  	[sflag:s11] =	ssyncset.done $0x0  }
0x17: {  	[sflag:s11] =	ssyncadd.s32 $0xFFFFFF80  }
0x18: {  	[tilespmem:s13], [sflag:$0x1] =	stream.indirect.gather [hbm4b:s3+s12], $0x80, s1, s12, $0xb8;
	[tilespmem:$0x8100] =	vst v63  }
0x19: {  	_ = 	snop  }
0x1a: {  	[tilespmem:s14], [sflag:$0x2] =	stream.indirect.gather [hbm4b:s4+s12], $0x80, s12, s12, $0xb8;
	[tilespmem:$0x8100] =	vst v63  }
0x1b: {  	_ =	swait.ge [sflag:s15], $0x4000  }
0x1c: {  	[sflag:s15] =	ssyncset.done $0x0  }
0x1d: {  	[sflag:s15] =	ssyncadd.s32 $0xFFFFC000  }
0x1e: {  	_ =	swait.ge [sflag:s16], $0x4000  }
0x1f: {  	[sflag:s16] =	ssyncset.done $0x0  }
0x20: {  	[sflag:s16] =	ssyncadd.s32 $0xFFFFC000  }
0x21: {  	[hbm4b:s9+s1] =	stream.linear.scatter [tilespmem:s13], [sflag:$0x3], $0x4000, $0x38;
	[tilespmem:$0x8100] =	vst v63  }
0x22: {  	p0 =	sne.s32 s5, $0x1;
	_ =	swait.ge [sflag:s11], $0x4000  }
.Ltmp0:
0x23: {  	[sflag:s11] =	ssyncset.done $0x0;
	(pc) =	sbr.rel @!p0 .LBB2_3-.Ltmp0, $4  }
0x24: {  	s18 =	sadd.s32 $0xFFFFFFFF, s5;
	[sflag:s11] =	ssyncadd.s32 $0xFFFFC000  }
0x25: {  	[hbm4b:s10+s1] =	stream.linear.scatter [tilespmem:s14], [sflag:$0x3], $0x4000, $0x38;
	[tilespmem:$0x8100] =	vst v63  }
0x26: {  	s19 =	sadd.s32 $0x10000, s9;
	s20 =	sadd.s32 $0x10000, s10;
	_ =	swait.ge [sflag:s11], $0x4000  }
0x27: {  	s21 =	smov.u32 s7;
	s22 =	smov.u32 s8;
	[sflag:s11] =	ssyncset.done $0x0  }
.LBB2_2:
0x28: {  	[sflag:s11] =	ssyncadd.s32 $0xFFFFC000;
	s21 =	sadd.s32 $0x200, s21;
	s22 =	sadd.s32 $0x200, s22  }
0x29: {  	[tilespmem:s1], [sflag:$0x3] =	stream.linear.gather [hbm4b:s22+s1], $0x80, $0x38;
	[tilespmem:$0x8100] =	vst v63  }
0x2a: {  	p0 =	sne.s32 s18, $0x1;
	s18 =	sadd.s32 $0xFFFFFFFF, s18;
	_ =	swait.ge [sflag:s11], $0x80  }
0x2b: {  	[sflag:s11] =	ssyncset.done $0x0  }
0x2c: {  	[sflag:s11] =	ssyncadd.s32 $0xFFFFFF80  }
0x2d: {  	[tilespmem:s12], [sflag:$0x3] =	stream.linear.gather [hbm4b:s21+s1], $0x80, $0x38;
	[tilespmem:$0x8100] =	vst v63  }
0x2e: {  	_ =	swait.ge [sflag:s11], $0x80  }
0x2f: {  	[sflag:s11] =	ssyncset.done $0x0  }
0x30: {  	[sflag:s11] =	ssyncadd.s32 $0xFFFFFF80  }
0x31: {  	[tilespmem:s13], [sflag:$0x1] =	stream.indirect.gather [hbm4b:s3+s12], $0x80, s1, s12, $0xb8;
	[tilespmem:$0x8100] =	vst v63  }
0x32: {  	_ = 	snop  }
0x33: {  	[tilespmem:s14], [sflag:$0x2] =	stream.indirect.gather [hbm4b:s4+s12], $0x80, s12, s12, $0xb8;
	[tilespmem:$0x8100] =	vst v63  }
0x34: {  	_ =	swait.ge [sflag:s15], $0x4000  }
0x35: {  	[sflag:s15] =	ssyncset.done $0x0  }
0x36: {  	[sflag:s15] =	ssyncadd.s32 $0xFFFFC000  }
0x37: {  	_ =	swait.ge [sflag:s16], $0x4000  }
0x38: {  	[sflag:s16] =	ssyncset.done $0x0  }
0x39: {  	[sflag:s16] =	ssyncadd.s32 $0xFFFFC000  }
0x3a: {  	[hbm4b:s19+s1] =	stream.linear.scatter [tilespmem:s13], [sflag:$0x3], $0x4000, $0x38;
	[tilespmem:$0x8100] =	vst v63  }
0x3b: {  	_ =	swait.ge [sflag:s11], $0x4000  }
.Ltmp1:
0x3c: {  	[sflag:s11] =	ssyncset.done $0x0;
	(pc) =	sbr.rel @p0 .LBB2_2-.Ltmp1, $4  }
0x3d: {  	[sflag:s11] =	ssyncadd.s32 $0xFFFFC000  }
0x3e: {  	[hbm4b:s20+s1] =	stream.linear.scatter [tilespmem:s14], [sflag:$0x3], $0x4000, $0x38;
	[tilespmem:$0x8100] =	vst v63  }
0x3f: {  	_ =	swait.ge [sflag:s11], $0x4000  }
0x40: {  	s19 =	sadd.s32 $0x10000, s19;
	s20 =	sadd.s32 $0x10000, s20;
	[sflag:s11] =	ssyncset.done $0x0  }
.LBB2_3:
0x41: {  	s17 =	sadd.s32 $0x1, s17  }
0x42: {  	p0 =	sne.s32 s17, s6  }
.Ltmp2:
0x43: {  	_ = 	snop;
	(pc) =	sbr.rel @p0 .LBB2_1-.Ltmp2, $2  }
0x44: {  	_ =	sdelay $0x2  }
0x45: {  	[sflag:s11] =	ssyncadd.s32 $0xFFFFC000  }
0x46: {  	_ =	sfence.sel $0x180000  }
0x47: {  	[bflag:$0x0] =	sbarrier.arrive $0xFFFF  }
0x48: {  	p0 =	sne.s32 s2, $0x0;
	_ =	strace $0x9000004A  }
0x49: {  	s0 =	sadd.s32 @!p0 $0x100000, s0;
	[bflag:$0x2] =	sbarrier.arrive $0xFFFF  }
0x4a: {  	[sflag:s0] =	ssyncadd.tile.s32 @!p0 $0x1;
	_ =	shalt  }
.Lfunc_end2:
_tile_overlayer_lowered:
.L_overlay_start_2:
0x4b: {  	(tag) =	ssettag $0x2  }
0x4c: {  	s0 =	rddreg [dreg:$0x0];
	s2 =	stileid.u32  }
0x4d: {  	s1 =	rddreg [dreg:$0x1];
	p0 =	sne.s32 s2, $0x0  }
0x4e: {  	s3 =	rddreg [dreg:$0x2];
	[bflag:$0x3] =	sbarrier.arrive $0xFFFF;
	s2 =	simm.s32 @!p0 $0x1C03  }
0x4f: {  	[timem:s3], [sflag:s2] =	dma.local @!p0 [hbm:s0], s1  }
0x50: {  	s0 =	simm.s32 @!p0 $0x3  }
0x51: {  	_ =	swait.ge @!p0 [sflag:s0], s1  }
0x52: {  	s1 =	ssub.s32 @!p0 $0x0, s1;
	[sflag:s0] =	ssyncset.done @!p0 $0x0  }
0x53: {  	[sflag:s0] =	ssyncadd.s32 @!p0 s1  }
0x54: {  	[bflag:$0x3] =	sbarrier.arrive $0xFFFF  }
0x55: {  	_ =	shalt  }

// kernel: kernel.15.cloned.1.call-start
scs
__scs_entry_jumppad:
0x0: {  	(pc) =	sbr.rel $0x88, $3  }
0x1: {  	(tag) =	ssettag $0x0;
	lr =	simm.s32 $0x1  }
0x2: {  	[smem:$0x3F82] =	sst lr;
	_ =	strace $0xD0000000  }
0x3: {  	_ = 	snop  }
0x4: {  	_ = 	snop  }
0x5: {  	_ = 	snop  }
0x6: {  	_ = 	snop  }
0x7: {  	_ = 	snop  }
__scs_overlays_trampoline_lowered:
0x8: {  	[smem:$0x3F91] =	sst s0  }
0x9: {  	[smem:$0x3F92] =	sst s1  }
0xa: {  	[smem:$0x3F93] =	sst s2  }
0xb: {  	[smem:$0x3F94] =	sst s3  }
0xc: {  	[smem:$0x3F95] =	sst s4  }
0xd: {  	[smem:$0x3F96] =	sst s5  }
0xe: {  	[smem:$0x3F97] =	sst s6  }
0xf: {  	[smem:$0x3F98] =	sst s7  }
0x10: {  	[smem:$0x3F99] =	sst s8  }
0x11: {  	[smem:$0x3F9A] =	sst s9;
	s0 =	simm.s32 @!p0 $0x0  }
0x12: {  	s1 =	sld [smem:$0x3F80];
	s0 =	simm.s32 @p0 $0x1  }
0x13: {  	[smem:$0x3F9B] =	sst s0;
	s0 =	simm.s32 @!p1 $0x0  }
0x14: {  	s2 =	sld [smem:$0x3F7F];
	s0 =	simm.s32 @p1 $0x1  }
0x15: {  	[smem:$0x3F9C] =	sst s0;
	s0 =	simm.s32 @!p2 $0x0  }
0x16: {  	s3 =	sld [smem:$0x3FDB];
	s0 =	simm.s32 @p2 $0x1  }
0x17: {  	s4 =	simm.s32 $0x1BF5;
	[smem:$0x3F9E] =	sst s0  }
0x18: {  	s0 =	sld [smem:$0x3F81];
	_ =	swait.ge [sflag:s4], $0x0  }
0x19: {  	s7 =	sld [smem:$0x3F82]  }
0x1a: {  	s8 =	sadd.s32 $0xFFFFE003, lr  }
0x1b: {  	s9 =	sadd.s32 $0xFFFFFEF7, lr;
	s5 =	simm.s32 $0xFFFFFFFF;
	p2 =	slt.u32 s8, $0xFFFFF086  }
0x1c: {  	p1 =	slt.u32 s9, $0xF7A;
	s5 =	simm.s32 @!p2 $0x0  }
0x1d: {  	s5 =	simm.s32 @p1 $0x1;
	p0 =	seq.s32 s7, s2  }
0x1e: {  	s7 =	smul.u32 @!p0 $0xF7A, s2;
	p2 =	seq.s32 @!p0 s5, $0x0  }
0x1f: {  	s9 =	smul.u32 $0xF7A, s1;
	s8 =	simm.s32 @!p0 $0x1BF5;
	p2 =	por !p2, p0  }
0x20: {  	[sflag:s8] =	ssyncset.s32 @!p0 $0xFFFFF086;
	s6 =	sadd.s32 @!p0 s3, s7;
	s7 =	simm.s32 @!p0 $0x108  }
0x21: {  	s3 =	sadd.s32 s3, s9;
	s6 =	sadd.s32 @!p0 $0x88, s6;
	s7 =	simm.s32 @p2 $0x1082  }
0x22: {  	[simem:s7], [sflag:s8] =	dma.local @!p0 [hbm:s6], $0xF7A  }
0x23: {  	s9 =	sor.u32 $0xD0000000, s2;
	s6 =	simm.s32 $0x108;
	_ =	swait.ge @!p0 [sflag:s8], $0x0  }
0x24: {  	s3 =	sadd.s32 $0x88, s3;
	s6 =	simm.s32 @!p1 $0x1082;
	[sflag:s4] =	ssyncset.s32 $0xFFFFF086  }
0x25: {  	[simem:s6], [sflag:s4] =	dma.local [hbm:s3], $0xF7A  }
0x26: {  	[smem:$0x3F82] =	sst s1;
	(tag) =	ssettag s2;
	_ =	strace s9  }
0x27: {  	s1 =	sld [smem:$0x3F92]  }
0x28: {  	s2 =	sld [smem:$0x3F93]  }
0x29: {  	s4 =	sld [smem:$0x3F95]  }
0x2a: {  	p0 =	seq.s32 s5, $0x0;
	s5 =	sld [smem:$0x3F96]  }
0x2b: {  	s6 =	sld [smem:$0x3F97]  }
0x2c: {  	s7 =	sld [smem:$0x3F98]  }
0x2d: {  	s3 =	simm.s32 $0x108;
	s8 =	sld [smem:$0x3F99]  }
0x2e: {  	s3 =	simm.s32 @!p0 $0x1082;
	s9 =	sld [smem:$0x3F9A]  }
0x2f: {  	lr =	sadd.s32 s0, s3;
	s0 =	sld [smem:$0x3F91]  }
0x30: {  	s3 =	sld [smem:$0x3F94]  }
0x31: {  	[smem:$0x3F9D] =	sst s10  }
0x32: {  	s10 =	sld [smem:$0x3F9B];
	_ =	sdelay $0x3  }
0x33: {  	p0 =	seq.s32 s10, $0x1;
	s10 =	sld [smem:$0x3F9D];
	_ =	sdelay $0x3  }
0x34: {  	[smem:$0x3F9D] =	sst s10  }
0x35: {  	s10 =	sld [smem:$0x3F9C];
	_ =	sdelay $0x3  }
0x36: {  	p1 =	seq.s32 s10, $0x1;
	s10 =	sld [smem:$0x3F9D];
	_ =	sdelay $0x3  }
0x37: {  	[smem:$0x3F9D] =	sst s10  }
0x38: {  	s10 =	sld [smem:$0x3F9E]  }
0x39: {  	_ = 	snop;
	(pc) =	sbr.ind lr, $3  }
0x3a: {  	_ = 	snop  }
0x3b: {  	_ = 	snop  }
0x3c: {  	p2 =	seq.s32 s10, $0x1;
	s10 =	sld [smem:$0x3F9D]  }
0x3d: {  	_ =	shalt  }
0x3e: {  	_ =	shalt  }
0x3f: {  	_ =	shalt  }
0x40: {  	_ =	shalt  }
0x41: {  	_ =	shalt  }
0x42: {  	_ =	shalt  }
0x43: {  	_ =	shalt  }
0x44: {  	_ =	shalt  }
0x45: {  	_ =	shalt  }
0x46: {  	_ =	shalt  }
0x47: {  	_ =	shalt  }
0x48: {  	_ =	shalt  }
0x49: {  	_ =	shalt  }
0x4a: {  	_ =	shalt  }
0x4b: {  	_ =	shalt  }
0x4c: {  	_ =	shalt  }
0x4d: {  	_ =	shalt  }
0x4e: {  	_ =	shalt  }
0x4f: {  	_ =	shalt  }
0x50: {  	_ =	shalt  }
0x51: {  	_ =	shalt  }
0x52: {  	_ =	shalt  }
0x53: {  	_ =	shalt  }
0x54: {  	_ =	shalt  }
0x55: {  	_ =	shalt  }
0x56: {  	_ =	shalt  }
0x57: {  	_ =	shalt  }
0x58: {  	_ =	shalt  }
0x59: {  	_ =	shalt  }
0x5a: {  	_ =	shalt  }
0x5b: {  	_ =	shalt  }
0x5c: {  	_ =	shalt  }
0x5d: {  	_ =	shalt  }
0x5e: {  	_ =	shalt  }
0x5f: {  	_ =	shalt  }
0x60: {  	_ =	shalt  }
0x61: {  	_ =	shalt  }
0x62: {  	_ =	shalt  }
0x63: {  	_ =	shalt  }
0x64: {  	_ =	shalt  }
0x65: {  	_ =	shalt  }
0x66: {  	_ =	shalt  }
0x67: {  	_ =	shalt  }
0x68: {  	_ =	shalt  }
0x69: {  	_ =	shalt  }
0x6a: {  	_ =	shalt  }
0x6b: {  	_ =	shalt  }
0x6c: {  	_ =	shalt  }
0x6d: {  	_ =	shalt  }
0x6e: {  	_ =	shalt  }
0x6f: {  	_ =	shalt  }
0x70: {  	_ =	shalt  }
0x71: {  	_ =	shalt  }
0x72: {  	_ =	shalt  }
0x73: {  	_ =	shalt  }
0x74: {  	_ =	shalt  }
0x75: {  	_ =	shalt  }
0x76: {  	_ =	shalt  }
0x77: {  	_ =	shalt  }
0x78: {  	_ =	shalt  }
0x79: {  	_ =	shalt  }
0x7a: {  	_ =	shalt  }
0x7b: {  	_ =	shalt  }
0x7c: {  	_ =	shalt  }
0x7d: {  	_ =	shalt  }
0x7e: {  	_ =	shalt  }
0x7f: {  	_ =	shalt  }
0x80: {  	_ =	shalt  }
0x81: {  	_ =	shalt  }
0x82: {  	_ =	shalt  }
0x83: {  	_ =	shalt  }
0x84: {  	_ =	shalt  }
0x85: {  	_ =	shalt  }
0x86: {  	_ =	shalt  }
0x87: {  	_ =	shalt  }
.Lfunc_end0:
.L_simem_size_0:
called_computation.2_lowered:
.L_overlay_start_0:
0x88: {  	s2 =	sld [smem:$0x3FD9]  }
0x89: {  	s3 =	sld [smem:$0x3FFE];
	_ =	sdelay $0x1  }
0x8a: {  	s1 =	srdreg.scid  }
0x8b: {  	s0 =	sand.u32 $0x1, s1  }
0x8c: {  	s17 =	sshll.u32 s0, $0xA;
	s2 =	sadd.s32 s3, s2  }
0x8d: {  	s2 =	sadd.s32 s2, s17  }
0x8e: {  	[smem:$0x3FA9] =	sst s2  }
0x8f: {  	_ = 	snop  }
0x90: {  	s2 =	sld [smem:$0x3FC7]  }
0x91: {  	s18 =	sld [smem:$0x3FC4];
	(tm) =	ssettm $0x1  }
0x92: {  	s4 =	sld [smem:$0x3FFB];
	_ =	sdelay $0x3  }
0x93: {  	_ =	strace s4  }
0x94: {  	s4 =	sld [smem:$0x3FFC];
	_ =	sdelay $0x3  }
0x95: {  	_ =	strace s4  }
0x96: {  	s4 =	sld [smem:$0x3FFD];
	_ =	sdelay $0x3  }
0x97: {  	_ =	strace s4  }
0x98: {  	_ =	strace $0x8FFFFFFF  }
0x99: {  	s19 =	sld [smem:$0x3FDB];
	_ =	sdelay $0x1  }
0x9a: {  	s5 =	simm.s32 $_scs_section_size  }
0x9b: {  	s6 =	simm.s32 $_size__tile_overlayer_lowered;
	s7 =	simm.s32 $_tile_overlayer_lowered  }
0x9c: {  	s22 =	simm.s32 $0x1BFF;
	s21 =	sshll.u32 s7, $0x1;
	s4 =	sadd.s32 s5, s19  }
0x9d: {  	s8 =	simm.s32 $0x0;
	s20 =	sshll.u32 s6, $0x1;
	s6 =	sadd.s32 s21, s4  }
0x9e: {  	[timem:s8], [sflag:s22] =	dma.local [hbm:s6], s20  }
0x9f: {  	_ =	swait.ge [sflag:s22], s20  }
0xa0: {  	s5 =	ssub.s32 $0x0, s20;
	[sflag:s22] =	ssyncset.done $0x0  }
0xa1: {  	[sflag:s22] =	ssyncadd.s32 s5;
	_ =	sdelay $0x1  }
0xa2: {  	s23 =	simm.s32 $0x1B8B  }
0xa3: {  	_ =	swait.ge [sflag:s23], $0x1  }
0xa4: {  	[sflag:s23] =	ssyncset.done $0x0  }
0xa5: {  	s25 =	simm.s32 $0x1B8E;
	s24 =	sld [smem:$0x3FFE];
	[sflag:s23] =	ssyncadd.s32 $0xFFFFFFFF  }
0xa6: {  	s26 =	simm.s32 $execute0_lowered;
	[smem:$0x3FD2] =	sst s25  }
0xa7: {  	s6 =	sshll.u32 s26, $0x1;
	_ =	strace $0x8000004C;
	[dreg:$0x1] =	wrdreg $0xFFFFFFFF  }
0xa8: {  	s28 =	simm.s32 $_size_execute0_lowered;
	s4 =	sadd.s32 s4, s6;
	[dreg:$0x0] =	wrdreg $0x0  }
0xa9: {  	s6 =	sshll.u32 s28, $0x1;
	[dreg:$0x2] =	wrdreg s4  }
0xaa: {  	[dreg:$0x3] =	wrdreg s6  }
0xab: {  	[dreg:$0x4] =	wrdreg $0xC0  }
0xac: {  	_ =	task [dreg:s8], $0x5FFFF  }
0xad: {  	[dreg:$0x1] =	wrdreg $0xFFFFFFFF  }
0xae: {  	[dreg:$0x0] =	wrdreg $0x60  }
0xaf: {  	[dreg:$0x2] =	wrdreg s24  }
0xb0: {  	[dreg:$0x3] =	wrdreg s2  }
0xb1: {  	[dreg:$0x4] =	wrdreg s18  }
0xb2: {  	[dreg:$0x5] =	wrdreg $0x41800  }
0xb3: {  	[dreg:$0x6] =	wrdreg $0x9  }
0xb4: {  	_ =	task.clear_ibuf [dreg:s8], $0x7FFFF;
	_ =	strace $0x9000004C  }
0xb5: {  	s29 =	simm.s32 $0x9;
	_ =	strace $0x8000004E  }
0xb6: {  	_ =	swait.ge [sflag:s29], $0x1  }
0xb7: {  	[sflag:s29] =	ssyncadd.s32 $0xFFFFFFFF  }
0xb8: {  	_ =	strace $0x9000004E  }
0xb9: {  	_ =	sfence  }
0xba: {  	s30 =	sld [smem:$0x0];
	_ =	sdelay $0x2  }
0xbb: {  	s31 =	sshll.u32 s1, $0xD;
	s1 =	sshrl.u32 s1, $0x2  }
0xbc: {  	s3 =	sand.u32 $0x4000, s31;
	s1 =	sadd.s32 s1, s30  }
0xbd: {  	s0 =	sor.u32 s3, s0;
	s1 =	sshll.u32 s1, $0x11  }
0xbe: {  	s0 =	sor.u32 s1, s0  }
0xbf: {  	s0 =	sadd.s32 $0x8F2B, s0  }
0xc0: {  	[sflag:s0] =	ssyncadd.remote.s32 $0x1  }
0xc1: {  	_ =	sfence.sel $0xFFFF  }
0xc2: {  	[dreg:$0x0] =	wrdreg $0xFFFFFFFF;
	(pc) =	sbr.abs _section_cstart, $3  }
0xc3: {  	[dreg:$0x1] =	wrdreg $0xFFFFFFFF  }
0xc4: {  	_ =	task.clear_ibuf [dreg:s8], $0x2FFFF;
	_ =	strace $0x9FFFFFFF  }
0xc5: {  	(tm) =	ssettm $0x7FFFFFFF  }
tec
execute0_lowered:
.L_overlay_start_1:
0x0: {  	(tag) =	ssettag $0x1  }
0x1: {  	s0 =	rddreg [dreg:$0x0];
	s22 =	stileid.u32  }
0x2: {  	s1 =	rddreg [dreg:$0x1];
	s4 =	smul.u32 $0x2800, s22  }
0x3: {  	s18 =	rddreg [dreg:$0x2];
	s19 =	smul.u32 $0x50000, s22  }
0x4: {  	s2 =	rddreg [dreg:$0x3];
	s10 =	smul.u32 $0x2710, s22  }
0x5: {  	s3 =	simm.s32 $0x0;
	s5 =	srdreg.scid;
	s21 =	smul.u32 $0x1388, s22  }
0x6: {  	[smem:$0x7FF] =	sst s3;
	s26 =	smul.u32 $0x27100, s22  }
0x7: {  	s14 =	sand.u32 $0x1, s5;
	s15 =	sadd.s32 $0xEF9C00, s0;
	s29 =	smul.u32 $0x13880, s22  }
0x8: {  	s16 =	sadd.s32 $0x5800, s0;
	p0 =	seq.s32 s22, $0xF;
	s7 =	smul.u32 $0x27100, s14  }
0x9: {  	s22 =	simm.s32 $0x4080;
	_ =	strace $0x8000004D;
	s20 =	smul.u32 $0x13880, s14  }
0xa: {  	s8 =	ssub.s32 $0x2, s14;
	s28 =	smul.u32 $0x138800, s14;
	s6 =	sadd.s32 s4, s0  }
0xb: {  	s9 =	sshrl.u32 s8, $0x1;
	s5 =	sshrl.u32 s19, $0x2;
	s13 =	sadd.s32 s7, s0  }
0xc: {  	s17 =	ssub.s32 s8, s9;
	s5 =	sadd.s32 s5, s2;
	s6 =	sadd.s32 $0x276800, s6  }
0xd: {  	s19 =	sadd.s32 s10, s7;
	s7 =	sadd.s32 $0x12C000, s2;
	s8 =	sadd.s32 $0x29C000, s0  }
0xe: {  	s20 =	sadd.s32 s21, s20;
	s21 =	smul.u32 $0x271000, s14;
	s31 =	sadd.s32 s28, s16  }
0xf: {  	s23 =	sadd.s32 $0x2700, s19;
	s24 =	sadd.s32 $0x1380, s20;
	s13 =	sadd.s32 $0x29DA00, s13  }
0x10: {  	s14 =	smax.u32 s17, $0x1;
	s30 =	sshrl.u32 s19, $0x3;
	s20 =	sshrl.u32 s20, $0x3  }
0x11: {  	s17 =	sadd.s32 s29, s31;
	s19 =	simm.s32 $0x4000;
	s11 =	sshrl.u32 s23, $0x3  }
0x12: {  	s0 =	sshll.u32 s23, $0x4;
	s25 =	sshrl.u32 s24, $0x3;
	s9 =	sadd.s32 s1, s11  }
0x13: {  	s10 =	sadd.s32 s15, s0;
	s0 =	sshll.u32 s24, $0x4;
	s11 =	sadd.s32 s18, s25  }
0x14: {  	s15 =	sadd.s32 s21, s15;
	s18 =	sadd.s32 s20, s18;
	s20 =	simm.s32 $0x1  }
0x15: {  	s21 =	simm.s32 $0x80;
	s24 =	simm.s32 $0x4100;
	s12 =	sadd.s32 s16, s0  }
0x16: {  	s15 =	sadd.s32 s26, s15;
	s16 =	sadd.s32 s30, s1;
	s26 =	simm.s32 $0x0  }
.LBB2_1:
0x17: {  	s28 =	sshrl.u32 @p0 s7, $0x3;
	s0 =	simm.s32 @p0 $0x1FC1  }
0x18: {  	[spmem:s28], [sflag:s0] =	dma.local @p0 [hbm:s8], $0x1900  }
0x19: {  	s0 =	simm.s32 @p0 $0x1  }
0x1a: {  	s1 =	stileid.u32;
	_ =	swait.ge @p0 [sflag:s0], $0x1900  }
0x1b: {  	s30 =	sshrl.u32 @!p0 s5, $0x3;
	s1 =	sshll.u32 @!p0 s1, $0x6;
	[sflag:s0] =	ssyncset.done @p0 $0x0  }
0x1c: {  	s29 =	sor.u32 @!p0 $0x1C01, s1;
	[sflag:s0] =	ssyncadd.s32 @p0 $0xFFFFE700;
	s0 =	simm.s32 @!p0 $0x1  }
0x1d: {  	[spmem:s30], [sflag:s29] =	dma.local @!p0 [hbm:s6], $0x2800  }
0x1e: {  	_ =	swait.ge @!p0 [sflag:s0], $0x2800  }
0x1f: {  	[sflag:s0] =	ssyncset.done @!p0 $0x0  }
0x20: {  	[sflag:s0] =	ssyncadd.s32 @!p0 $0xFFFFD800  }
0x21: {  	s25 =	sadd.s32 $0x0, s16;
	[bflag:$0x0] =	sbarrier.arrive $0xFFFF  }
0x22: {  	[tilespmem:s19], [sflag:$0x1] =	stream.linear.gather [hbm4b:s25+s3], $0x80, $0x38;
	[tilespmem:$0x17A00] =	vst v63  }
0x23: {  	_ =	swait.ge [sflag:s20], $0x80  }
0x24: {  	[sflag:s20] =	ssyncset.done $0x0  }
0x25: {  	[sflag:s20] =	ssyncadd.s32 $0xFFFFFF80  }
0x26: {  	[tilespmem:s3], [sflag:$0x1] =	stream.linear.gather [hbm4b:s15+s3], $0x4000, $0x38;
	[tilespmem:$0x17A00] =	vst v63  }
0x27: {  	_ =	swait.ge [sflag:s20], $0x4000  }
0x28: {  	[sflag:s20] =	ssyncset.done $0x0  }
0x29: {  	[sflag:s20] =	ssyncadd.s32 $0xFFFFC000  }
0x2a: {  	[spmem:s2] =	stream.indirect.scatter.add.f32 [tilespmem:s3], [sflag:$0x1], $0x80, s19, s21, $0xb8;
	[tilespmem:$0x17A00] =	vst v63  }
0x2b: {  	s31 =	sadd.s32 $0x800, s15;
	_ =	swait.ge [sflag:s20], $0x4000  }
0x2c: {  	s1 =	simm.s32 $0x20;
	s0 =	simm.s32 $0x10;
	[sflag:s20] =	ssyncset.done $0x0  }
.LBB2_2:
0x2d: {  	s23 =	sadd.s32 s0, s16  }
0x2e: {  	[sflag:s20] =	ssyncadd.s32 $0xFFFFC000;
	s0 =	smov.u32 s1;
	s25 =	sadd.s32 $0x10, s1  }
0x2f: {  	[tilespmem:s19], [sflag:$0x1] =	stream.linear.gather [hbm4b:s23+s3], $0x80, $0x38;
	[tilespmem:$0x17A00] =	vst v63  }
0x30: {  	p1 =	sne.s32 s1, $0x4D0;
	_ =	swait.ge [sflag:s20], $0x80  }
0x31: {  	[sflag:s20] =	ssyncset.done $0x0  }
0x32: {  	[sflag:s20] =	ssyncadd.s32 $0xFFFFFF80  }
0x33: {  	[tilespmem:s3], [sflag:$0x1] =	stream.linear.gather [hbm4b:s31+s3], $0x4000, $0x38;
	[tilespmem:$0x17A00] =	vst v63  }
0x34: {  	_ =	swait.ge [sflag:s20], $0x4000  }
.Ltmp0:
0x35: {  	[sflag:s20] =	ssyncset.done $0x0;
	(pc) =	sbr.rel @p1 .LBB2_2-.Ltmp0, $4  }
0x36: {  	[sflag:s20] =	ssyncadd.s32 $0xFFFFC000  }
0x37: {  	[spmem:s2] =	stream.indirect.scatter.add.f32 [tilespmem:s3], [sflag:$0x1], $0x80, s19, s21, $0xb8;
	[tilespmem:$0x17A00] =	vst v63  }
0x38: {  	_ =	swait.ge [sflag:s20], $0x4000  }
0x39: {  	s1 =	smov.u32 s25;
	s31 =	sadd.s32 $0x800, s31;
	[sflag:s20] =	ssyncset.done $0x0  }
0x3a: {  	s0 =	sadd.s32 s0, s16;
	[sflag:s20] =	ssyncadd.s32 $0xFFFFC000  }
0x3b: {  	[tilespmem:s19], [sflag:$0x1] =	stream.linear.gather [hbm4b:s0+s3], $0x80, $0x38;
	[tilespmem:$0x17A00] =	vst v63  }
0x3c: {  	_ =	swait.ge [sflag:s20], $0x80  }
0x3d: {  	[sflag:s20] =	ssyncset.done $0x0  }
0x3e: {  	[sflag:s20] =	ssyncadd.s32 $0xFFFFFF80  }
0x3f: {  	[tilespmem:s3], [sflag:$0x1] =	stream.linear.gather [hbm4b:s31+s3], $0x4000, $0x38;
	[tilespmem:$0x17A00] =	vst v63  }
0x40: {  	_ =	swait.ge [sflag:s20], $0x4000  }
0x41: {  	[sflag:s20] =	ssyncset.done $0x0  }
0x42: {  	[sflag:s20] =	ssyncadd.s32 $0xFFFFC000  }
0x43: {  	[spmem:s2] =	stream.indirect.scatter.add.f32 [tilespmem:s3], [sflag:$0x1], $0x80, s19, s21, $0xb8;
	[tilespmem:$0x17A00] =	vst v63  }
0x44: {  	_ =	swait.ge [sflag:s20], $0x4000  }
0x45: {  	[sflag:s20] =	ssyncset.done $0x0  }
0x46: {  	s23 =	simm.s32 $0x0;
	[sflag:s20] =	ssyncadd.s32 $0xFFFFC000  }
0x47: {  	[tilespmem:s22], [sflag:$0x1] =	stream.linear.gather [hbm4b:s9+s23], $0x10, $0x38;
	[tilespmem:$0x17A00] =	vst v63  }
0x48: {  	_ =	swait.ge [sflag:s20], $0x10  }
0x49: {  	[sflag:s20] =	ssyncset.done $0x0  }
0x4a: {  	[sflag:s20] =	ssyncadd.s32 $0xFFFFFFF0  }
0x4b: {  	[tilespmem:s23], [sflag:$0x1] =	stream.linear.gather [hbm4b:s10+s23], $0x800, $0x38;
	[tilespmem:$0x17A00] =	vst v63  }
0x4c: {  	_ =	swait.ge [sflag:s20], $0x800  }
0x4d: {  	[sflag:s20] =	ssyncset.done $0x0  }
0x4e: {  	s1 =	simm.s32 $0x10;
	[sflag:s20] =	ssyncadd.s32 $0xFFFFF800  }
0x4f: {  	[spmem:s2] =	stream.indirect.scatter.add.f32 [tilespmem:s23], [sflag:$0x1], $0x80, s22, s1, $0xb8;
	[tilespmem:$0x17A00] =	vst v63  }
0x50: {  	_ =	swait.ge [sflag:s20], $0x800  }
0x51: {  	[sflag:s20] =	ssyncset.done $0x0  }
0x52: {  	s25 =	sadd.s32 $0x0, s18;
	[sflag:s20] =	ssyncadd.s32 $0xFFFFF800  }
0x53: {  	[tilespmem:s19], [sflag:$0x1] =	stream.linear.gather [hbm4b:s25+s3], $0x80, $0x38;
	[tilespmem:$0x17A00] =	vst v63  }
0x54: {  	_ =	swait.ge [sflag:s20], $0x80  }
0x55: {  	[sflag:s20] =	ssyncset.done $0x0  }
0x56: {  	[sflag:s20] =	ssyncadd.s32 $0xFFFFFF80  }
0x57: {  	[tilespmem:s3], [sflag:$0x1] =	stream.linear.gather [hbm4b:s17+s3], $0x4000, $0x38;
	[tilespmem:$0x17A00] =	vst v63  }
0x58: {  	_ =	swait.ge [sflag:s20], $0x4000  }
0x59: {  	[sflag:s20] =	ssyncset.done $0x0  }
0x5a: {  	[sflag:s20] =	ssyncadd.s32 $0xFFFFC000  }
0x5b: {  	[spmem:s2] =	stream.indirect.scatter.add.f32 [tilespmem:s3], [sflag:$0x1], $0x80, s19, s21, $0xb8;
	[tilespmem:$0x17A00] =	vst v63  }
0x5c: {  	s0 =	simm.s32 $0x10;
	_ =	swait.ge [sflag:s20], $0x4000  }
0x5d: {  	s31 =	sadd.s32 $0x800, s17;
	s1 =	simm.s32 $0x20;
	[sflag:s20] =	ssyncset.done $0x0  }
.LBB2_4:
0x5e: {  	s23 =	sadd.s32 s0, s18  }
0x5f: {  	[sflag:s20] =	ssyncadd.s32 $0xFFFFC000;
	s0 =	smov.u32 s1;
	s25 =	sadd.s32 $0x10, s1  }
0x60: {  	[tilespmem:s19], [sflag:$0x1] =	stream.linear.gather [hbm4b:s23+s3], $0x80, $0x38;
	[tilespmem:$0x17A00] =	vst v63  }
0x61: {  	p1 =	sne.s32 s1, $0x260;
	_ =	swait.ge [sflag:s20], $0x80  }
0x62: {  	[sflag:s20] =	ssyncset.done $0x0  }
0x63: {  	[sflag:s20] =	ssyncadd.s32 $0xFFFFFF80  }
0x64: {  	[tilespmem:s3], [sflag:$0x1] =	stream.linear.gather [hbm4b:s31+s3], $0x4000, $0x38;
	[tilespmem:$0x17A00] =	vst v63  }
0x65: {  	_ =	swait.ge [sflag:s20], $0x4000  }
.Ltmp1:
0x66: {  	[sflag:s20] =	ssyncset.done $0x0;
	(pc) =	sbr.rel @p1 .LBB2_4-.Ltmp1, $4  }
0x67: {  	[sflag:s20] =	ssyncadd.s32 $0xFFFFC000  }
0x68: {  	[spmem:s2] =	stream.indirect.scatter.add.f32 [tilespmem:s3], [sflag:$0x1], $0x80, s19, s21, $0xb8;
	[tilespmem:$0x17A00] =	vst v63  }
0x69: {  	_ =	swait.ge [sflag:s20], $0x4000  }
0x6a: {  	s1 =	smov.u32 s25;
	s31 =	sadd.s32 $0x800, s31;
	[sflag:s20] =	ssyncset.done $0x0  }
0x6b: {  	s0 =	sadd.s32 s0, s18;
	[sflag:s20] =	ssyncadd.s32 $0xFFFFC000  }
0x6c: {  	[tilespmem:s19], [sflag:$0x1] =	stream.linear.gather [hbm4b:s0+s3], $0x80, $0x38;
	[tilespmem:$0x17A00] =	vst v63  }
0x6d: {  	_ =	swait.ge [sflag:s20], $0x80  }
0x6e: {  	[sflag:s20] =	ssyncset.done $0x0  }
0x6f: {  	[sflag:s20] =	ssyncadd.s32 $0xFFFFFF80  }
0x70: {  	[tilespmem:s3], [sflag:$0x1] =	stream.linear.gather [hbm4b:s31+s3], $0x4000, $0x38;
	[tilespmem:$0x17A00] =	vst v63  }
0x71: {  	_ =	swait.ge [sflag:s20], $0x4000  }
0x72: {  	[sflag:s20] =	ssyncset.done $0x0  }
0x73: {  	[sflag:s20] =	ssyncadd.s32 $0xFFFFC000  }
0x74: {  	[spmem:s2] =	stream.indirect.scatter.add.f32 [tilespmem:s3], [sflag:$0x1], $0x80, s19, s21, $0xb8;
	[tilespmem:$0x17A00] =	vst v63  }
0x75: {  	_ =	swait.ge [sflag:s20], $0x4000  }
0x76: {  	[sflag:s20] =	ssyncset.done $0x0  }
0x77: {  	[sflag:s20] =	ssyncadd.s32 $0xFFFFC000  }
0x78: {  	[tilespmem:s24], [sflag:$0x1] =	stream.linear.gather [hbm4b:s11+s3], $0x8, $0x38;
	[tilespmem:$0x17A00] =	vst v63  }
0x79: {  	_ =	swait.ge [sflag:s20], $0x8  }
0x7a: {  	[sflag:s20] =	ssyncset.done $0x0  }
0x7b: {  	[sflag:s20] =	ssyncadd.s32 $0xFFFFFFF8  }
0x7c: {  	[tilespmem:s3], [sflag:$0x1] =	stream.linear.gather [hbm4b:s12+s3], $0x400, $0x38;
	[tilespmem:$0x17A00] =	vst v63  }
0x7d: {  	_ =	swait.ge [sflag:s20], $0x400  }
0x7e: {  	[sflag:s20] =	ssyncset.done $0x0  }
0x7f: {  	s31 =	simm.s32 $0x8;
	[sflag:s20] =	ssyncadd.s32 $0xFFFFFC00  }
0x80: {  	[spmem:s2] =	stream.indirect.scatter.add.f32 [tilespmem:s3], [sflag:$0x1], $0x80, s24, s31, $0xb8;
	[tilespmem:$0x17A00] =	vst v63  }
0x81: {  	_ =	swait.ge [sflag:s20], $0x400  }
0x82: {  	[sflag:s20] =	ssyncset.done $0x0  }
0x83: {  	[sflag:s20] =	ssyncadd.s32 $0xFFFFFC00  }
0x84: {  	s1 =	simm.s32 @p0 $0x1FC1;
	s0 =	sadd.s32 @p0 $0x25800, s13;
	[bflag:$0x0] =	sbarrier.arrive $0xFFFF  }
0x85: {  	[hbm:s0], [sflag:s1] =	dma.local @p0 [spmem:s28], $0x1900  }
0x86: {  	s0 =	simm.s32 @p0 $0x1  }
0x87: {  	_ =	swait.ge @p0 [sflag:s0], $0x1900  }
0x88: {  	s26 =	sadd.s32 $0x1, s26;
	[sflag:s0] =	ssyncset.done @p0 $0x0  }
0x89: {  	p1 =	sne.s32 s26, s14;
	[sflag:s0] =	ssyncadd.s32 @p0 $0xFFFFE700;
	s0 =	sadd.s32 @!p0 s4, s13  }
0x8a: {  	[hbm:s0], [sflag:s29] =	dma.local @!p0 [spmem:s30], $0x2800  }
.Ltmp2:
0x8b: {  	_ = 	snop;
	(pc) =	sbr.rel @p1 .LBB2_1-.Ltmp2, $4  }
0x8c: {  	s0 =	simm.s32 @!p0 $0x1  }
0x8d: {  	_ =	swait.ge @!p0 [sflag:s0], $0x2800  }
0x8e: {  	[sflag:s0] =	ssyncset.done @!p0 $0x0  }
0x8f: {  	[sflag:s0] =	ssyncadd.s32 @!p0 $0xFFFFD800  }
0x90: {  	_ =	sfence.sel $0x180000  }
0x91: {  	[bflag:$0x0] =	sbarrier.arrive $0xFFFF  }
0x92: {  	_ =	strace $0x9000004D  }
0x93: {  	s0 =	stileid.u32;
	[bflag:$0x2] =	sbarrier.arrive $0xFFFF  }
0x94: {  	p0 =	sne.s32 s0, $0x0;
	s0 =	rddreg [dreg:$0x4]  }
0x95: {  	s0 =	sadd.s32 @!p0 $0x100000, s0  }
0x96: {  	[sflag:s0] =	ssyncadd.tile.s32 @!p0 $0x1;
	_ =	shalt  }
.Lfunc_end2:
_tile_overlayer_lowered:
.L_overlay_start_2:
0x97: {  	(tag) =	ssettag $0x2  }
0x98: {  	s0 =	rddreg [dreg:$0x0];
	s2 =	stileid.u32  }
0x99: {  	s1 =	rddreg [dreg:$0x1];
	p0 =	sne.s32 s2, $0x0  }
0x9a: {  	s3 =	rddreg [dreg:$0x2];
	[bflag:$0x3] =	sbarrier.arrive $0xFFFF;
	s2 =	simm.s32 @!p0 $0x1C01  }
0x9b: {  	[timem:s3], [sflag:s2] =	dma.local @!p0 [hbm:s0], s1  }
0x9c: {  	s0 =	simm.s32 @!p0 $0x1  }
0x9d: {  	_ =	swait.ge @!p0 [sflag:s0], s1  }
0x9e: {  	s1 =	ssub.s32 @!p0 $0x0, s1;
	[sflag:s0] =	ssyncset.done @!p0 $0x0  }
0x9f: {  	[sflag:s0] =	ssyncadd.s32 @!p0 s1  }
0xa0: {  	[bflag:$0x3] =	sbarrier.arrive $0xFFFF  }
0xa1: {  	_ =	shalt  }

// kernel: kernel.9.cloned.1.call-start
scs
__scs_entry_jumppad:
0x0: {  	(pc) =	sbr.rel $0x88, $3  }
0x1: {  	(tag) =	ssettag $0x0;
	lr =	simm.s32 $0x1  }
0x2: {  	[smem:$0x3F82] =	sst lr;
	_ =	strace $0xD0000000  }
0x3: {  	_ = 	snop  }
0x4: {  	_ = 	snop  }
0x5: {  	_ = 	snop  }
0x6: {  	_ = 	snop  }
0x7: {  	_ = 	snop  }
__scs_overlays_trampoline_lowered:
0x8: {  	[smem:$0x3F91] =	sst s0  }
0x9: {  	[smem:$0x3F92] =	sst s1  }
0xa: {  	[smem:$0x3F93] =	sst s2  }
0xb: {  	[smem:$0x3F94] =	sst s3  }
0xc: {  	[smem:$0x3F95] =	sst s4  }
0xd: {  	[smem:$0x3F96] =	sst s5  }
0xe: {  	[smem:$0x3F97] =	sst s6  }
0xf: {  	[smem:$0x3F98] =	sst s7  }
0x10: {  	[smem:$0x3F99] =	sst s8  }
0x11: {  	[smem:$0x3F9A] =	sst s9;
	s0 =	simm.s32 @!p0 $0x0  }
0x12: {  	s1 =	sld [smem:$0x3F80];
	s0 =	simm.s32 @p0 $0x1  }
0x13: {  	[smem:$0x3F9B] =	sst s0;
	s0 =	simm.s32 @!p1 $0x0  }
0x14: {  	s2 =	sld [smem:$0x3F7F];
	s0 =	simm.s32 @p1 $0x1  }
0x15: {  	[smem:$0x3F9C] =	sst s0;
	s0 =	simm.s32 @!p2 $0x0  }
0x16: {  	s3 =	sld [smem:$0x3FDB];
	s0 =	simm.s32 @p2 $0x1  }
0x17: {  	s4 =	simm.s32 $0x1BF5;
	[smem:$0x3F9E] =	sst s0  }
0x18: {  	s0 =	sld [smem:$0x3F81];
	_ =	swait.ge [sflag:s4], $0x0  }
0x19: {  	s7 =	sld [smem:$0x3F82]  }
0x1a: {  	s8 =	sadd.s32 $0xFFFFE003, lr  }
0x1b: {  	s9 =	sadd.s32 $0xFFFFFEF7, lr;
	s5 =	simm.s32 $0xFFFFFFFF;
	p2 =	slt.u32 s8, $0xFFFFF086  }
0x1c: {  	p1 =	slt.u32 s9, $0xF7A;
	s5 =	simm.s32 @!p2 $0x0  }
0x1d: {  	s5 =	simm.s32 @p1 $0x1;
	p0 =	seq.s32 s7, s2  }
0x1e: {  	s7 =	smul.u32 @!p0 $0xF7A, s2;
	p2 =	seq.s32 @!p0 s5, $0x0  }
0x1f: {  	s9 =	smul.u32 $0xF7A, s1;
	s8 =	simm.s32 @!p0 $0x1BF5;
	p2 =	por !p2, p0  }
0x20: {  	[sflag:s8] =	ssyncset.s32 @!p0 $0xFFFFF086;
	s6 =	sadd.s32 @!p0 s3, s7;
	s7 =	simm.s32 @!p0 $0x108  }
0x21: {  	s3 =	sadd.s32 s3, s9;
	s6 =	sadd.s32 @!p0 $0x88, s6;
	s7 =	simm.s32 @p2 $0x1082  }
0x22: {  	[simem:s7], [sflag:s8] =	dma.local @!p0 [hbm:s6], $0xF7A  }
0x23: {  	s9 =	sor.u32 $0xD0000000, s2;
	s6 =	simm.s32 $0x108;
	_ =	swait.ge @!p0 [sflag:s8], $0x0  }
0x24: {  	s3 =	sadd.s32 $0x88, s3;
	s6 =	simm.s32 @!p1 $0x1082;
	[sflag:s4] =	ssyncset.s32 $0xFFFFF086  }
0x25: {  	[simem:s6], [sflag:s4] =	dma.local [hbm:s3], $0xF7A  }
0x26: {  	[smem:$0x3F82] =	sst s1;
	(tag) =	ssettag s2;
	_ =	strace s9  }
0x27: {  	s1 =	sld [smem:$0x3F92]  }
0x28: {  	s2 =	sld [smem:$0x3F93]  }
0x29: {  	s4 =	sld [smem:$0x3F95]  }
0x2a: {  	p0 =	seq.s32 s5, $0x0;
	s5 =	sld [smem:$0x3F96]  }
0x2b: {  	s6 =	sld [smem:$0x3F97]  }
0x2c: {  	s7 =	sld [smem:$0x3F98]  }
0x2d: {  	s3 =	simm.s32 $0x108;
	s8 =	sld [smem:$0x3F99]  }
0x2e: {  	s3 =	simm.s32 @!p0 $0x1082;
	s9 =	sld [smem:$0x3F9A]  }
0x2f: {  	lr =	sadd.s32 s0, s3;
	s0 =	sld [smem:$0x3F91]  }
0x30: {  	s3 =	sld [smem:$0x3F94]  }
0x31: {  	[smem:$0x3F9D] =	sst s10  }
0x32: {  	s10 =	sld [smem:$0x3F9B];
	_ =	sdelay $0x3  }
0x33: {  	p0 =	seq.s32 s10, $0x1;
	s10 =	sld [smem:$0x3F9D];
	_ =	sdelay $0x3  }
0x34: {  	[smem:$0x3F9D] =	sst s10  }
0x35: {  	s10 =	sld [smem:$0x3F9C];
	_ =	sdelay $0x3  }
0x36: {  	p1 =	seq.s32 s10, $0x1;
	s10 =	sld [smem:$0x3F9D];
	_ =	sdelay $0x3  }
0x37: {  	[smem:$0x3F9D] =	sst s10  }
0x38: {  	s10 =	sld [smem:$0x3F9E]  }
0x39: {  	_ = 	snop;
	(pc) =	sbr.ind lr, $3  }
0x3a: {  	_ = 	snop  }
0x3b: {  	_ = 	snop  }
0x3c: {  	p2 =	seq.s32 s10, $0x1;
	s10 =	sld [smem:$0x3F9D]  }
0x3d: {  	_ =	shalt  }
0x3e: {  	_ =	shalt  }
0x3f: {  	_ =	shalt  }
0x40: {  	_ =	shalt  }
0x41: {  	_ =	shalt  }
0x42: {  	_ =	shalt  }
0x43: {  	_ =	shalt  }
0x44: {  	_ =	shalt  }
0x45: {  	_ =	shalt  }
0x46: {  	_ =	shalt  }
0x47: {  	_ =	shalt  }
0x48: {  	_ =	shalt  }
0x49: {  	_ =	shalt  }
0x4a: {  	_ =	shalt  }
0x4b: {  	_ =	shalt  }
0x4c: {  	_ =	shalt  }
0x4d: {  	_ =	shalt  }
0x4e: {  	_ =	shalt  }
0x4f: {  	_ =	shalt  }
0x50: {  	_ =	shalt  }
0x51: {  	_ =	shalt  }
0x52: {  	_ =	shalt  }
0x53: {  	_ =	shalt  }
0x54: {  	_ =	shalt  }
0x55: {  	_ =	shalt  }
0x56: {  	_ =	shalt  }
0x57: {  	_ =	shalt  }
0x58: {  	_ =	shalt  }
0x59: {  	_ =	shalt  }
0x5a: {  	_ =	shalt  }
0x5b: {  	_ =	shalt  }
0x5c: {  	_ =	shalt  }
0x5d: {  	_ =	shalt  }
0x5e: {  	_ =	shalt  }
0x5f: {  	_ =	shalt  }
0x60: {  	_ =	shalt  }
0x61: {  	_ =	shalt  }
0x62: {  	_ =	shalt  }
0x63: {  	_ =	shalt  }
0x64: {  	_ =	shalt  }
0x65: {  	_ =	shalt  }
0x66: {  	_ =	shalt  }
0x67: {  	_ =	shalt  }
0x68: {  	_ =	shalt  }
0x69: {  	_ =	shalt  }
0x6a: {  	_ =	shalt  }
0x6b: {  	_ =	shalt  }
0x6c: {  	_ =	shalt  }
0x6d: {  	_ =	shalt  }
0x6e: {  	_ =	shalt  }
0x6f: {  	_ =	shalt  }
0x70: {  	_ =	shalt  }
0x71: {  	_ =	shalt  }
0x72: {  	_ =	shalt  }
0x73: {  	_ =	shalt  }
0x74: {  	_ =	shalt  }
0x75: {  	_ =	shalt  }
0x76: {  	_ =	shalt  }
0x77: {  	_ =	shalt  }
0x78: {  	_ =	shalt  }
0x79: {  	_ =	shalt  }
0x7a: {  	_ =	shalt  }
0x7b: {  	_ =	shalt  }
0x7c: {  	_ =	shalt  }
0x7d: {  	_ =	shalt  }
0x7e: {  	_ =	shalt  }
0x7f: {  	_ =	shalt  }
0x80: {  	_ =	shalt  }
0x81: {  	_ =	shalt  }
0x82: {  	_ =	shalt  }
0x83: {  	_ =	shalt  }
0x84: {  	_ =	shalt  }
0x85: {  	_ =	shalt  }
0x86: {  	_ =	shalt  }
0x87: {  	_ =	shalt  }
.Lfunc_end0:
.L_simem_size_0:
called_computation_lowered:
.L_overlay_start_0:
0x88: {  	s2 =	sld [smem:$0x3FD9]  }
0x89: {  	s3 =	sld [smem:$0x3FFE];
	_ =	sdelay $0x1  }
0x8a: {  	s1 =	srdreg.scid  }
0x8b: {  	s0 =	sand.u32 $0x1, s1  }
0x8c: {  	s14 =	sshll.u32 s0, $0xA;
	s2 =	sadd.s32 s3, s2  }
0x8d: {  	s2 =	sadd.s32 s2, s14  }
0x8e: {  	[smem:$0x3FA9] =	sst s2  }
0x8f: {  	_ = 	snop  }
0x90: {  	s2 =	sld [smem:$0x3FD0];
	_ =	sdelay $0x1  }
0x91: {  	s15 =	sld [smem:$0x3FC8]  }
0x92: {  	s5 =	simm.s32 $0xB;
	s6 =	simm.s32 $0x10;
	s4 =	sld [smem:$0x3FC7]  }
0x93: {  	[smem:s6], [sflag:s5] =	dma.local [hbm:s2], $0x1  }
0x94: {  	_ =	swait.eq [sflag:s5], $0x1  }
0x95: {  	[sflag:s5] =	ssyncset.done $0x0  }
0x96: {  	s16 =	sld [smem:$0x11];
	[sflag:s5] =	ssyncadd.s32 $0xFFFFFFFF  }
0x97: {  	s17 =	sld [smem:$0x12];
	(tm) =	ssettm $0x1  }
0x98: {  	s18 =	sld [smem:$0x3FFB];
	_ =	sdelay $0x3  }
0x99: {  	_ =	strace s18  }
0x9a: {  	s6 =	sld [smem:$0x3FFC];
	_ =	sdelay $0x3  }
0x9b: {  	_ =	strace s6  }
0x9c: {  	s6 =	sld [smem:$0x3FFD];
	_ =	sdelay $0x3  }
0x9d: {  	_ =	strace s6  }
0x9e: {  	_ =	strace $0x8FFFFFFF  }
0x9f: {  	s19 =	sld [smem:$0x3FDB];
	_ =	sdelay $0x1  }
0xa0: {  	s7 =	simm.s32 $_scs_section_size  }
0xa1: {  	s8 =	simm.s32 $_size__tile_overlayer_lowered;
	s9 =	simm.s32 $_tile_overlayer_lowered  }
0xa2: {  	s22 =	simm.s32 $0x1BFF;
	s21 =	sshll.u32 s9, $0x1;
	s6 =	sadd.s32 s7, s19  }
0xa3: {  	s10 =	simm.s32 $0x0;
	s20 =	sshll.u32 s8, $0x1;
	s8 =	sadd.s32 s21, s6  }
0xa4: {  	[timem:s10], [sflag:s22] =	dma.local [hbm:s8], s20  }
0xa5: {  	_ =	swait.ge [sflag:s22], s20  }
0xa6: {  	s7 =	ssub.s32 $0x0, s20;
	[sflag:s22] =	ssyncset.done $0x0  }
0xa7: {  	[sflag:s22] =	ssyncadd.s32 s7;
	_ =	sdelay $0x1  }
0xa8: {  	s23 =	simm.s32 $0x1B8B  }
0xa9: {  	_ =	swait.ge [sflag:s23], $0x1  }
0xaa: {  	[sflag:s23] =	ssyncset.done $0x0  }
0xab: {  	s25 =	simm.s32 $0x1B8E;
	s24 =	sld [smem:$0x3FFE];
	[sflag:s23] =	ssyncadd.s32 $0xFFFFFFFF  }
0xac: {  	s26 =	simm.s32 $execute0_lowered;
	[smem:$0x3FD2] =	sst s25  }
0xad: {  	s8 =	sshll.u32 s26, $0x1;
	_ =	strace $0x80000046;
	[dreg:$0x1] =	wrdreg $0xFFFFFFFF  }
0xae: {  	s28 =	simm.s32 $_size_execute0_lowered;
	s6 =	sadd.s32 s6, s8;
	[dreg:$0x0] =	wrdreg $0x0  }
0xaf: {  	s8 =	sshll.u32 s28, $0x1;
	[dreg:$0x2] =	wrdreg s6  }
0xb0: {  	[dreg:$0x3] =	wrdreg s8  }
0xb1: {  	[dreg:$0x4] =	wrdreg $0xC0  }
0xb2: {  	_ =	task [dreg:s10], $0x5FFFF  }
0xb3: {  	[dreg:$0x1] =	wrdreg $0xFFFFFFFF  }
0xb4: {  	[dreg:$0x0] =	wrdreg $0x60  }
0xb5: {  	[dreg:$0x2] =	wrdreg s17  }
0xb6: {  	[dreg:$0x3] =	wrdreg s16  }
0xb7: {  	[dreg:$0x4] =	wrdreg s15  }
0xb8: {  	[dreg:$0x5] =	wrdreg s4  }
0xb9: {  	[dreg:$0x6] =	wrdreg s24  }
0xba: {  	[dreg:$0x7] =	wrdreg $0x9  }
0xbb: {  	_ =	task.clear_ibuf [dreg:s10], $0x8FFFF;
	_ =	strace $0x90000046  }
0xbc: {  	s29 =	simm.s32 $0x9;
	_ =	strace $0x80000048  }
0xbd: {  	_ =	swait.ge [sflag:s29], $0x1  }
0xbe: {  	[sflag:s29] =	ssyncadd.s32 $0xFFFFFFFF  }
0xbf: {  	_ =	strace $0x90000048  }
0xc0: {  	_ =	sfence  }
0xc1: {  	s30 =	sld [smem:$0x0];
	_ =	sdelay $0x2  }
0xc2: {  	s31 =	sshll.u32 s1, $0xD;
	s1 =	sshrl.u32 s1, $0x2  }
0xc3: {  	s3 =	sand.u32 $0x4000, s31;
	s1 =	sadd.s32 s1, s30  }
0xc4: {  	s0 =	sor.u32 s3, s0;
	s1 =	sshll.u32 s1, $0x11  }
0xc5: {  	s0 =	sor.u32 s1, s0  }
0xc6: {  	s0 =	sadd.s32 $0x8F2B, s0  }
0xc7: {  	[sflag:s0] =	ssyncadd.remote.s32 $0x1  }
0xc8: {  	_ =	sfence.sel $0xFFFF  }
0xc9: {  	[dreg:$0x0] =	wrdreg $0xFFFFFFFF;
	(pc) =	sbr.abs _section_cstart, $3  }
0xca: {  	[dreg:$0x1] =	wrdreg $0xFFFFFFFF  }
0xcb: {  	_ =	task.clear_ibuf [dreg:s10], $0x2FFFF;
	_ =	strace $0x9FFFFFFF  }
0xcc: {  	(tm) =	ssettm $0x7FFFFFFF  }
0xcd: {  	_ =	shalt  }
tec
execute0_lowered:
.L_overlay_start_1:
0x0: {  	(tag) =	ssettag $0x1  }
0x1: {  	s1 =	rddreg [dreg:$0x0]  }
0x2: {  	s2 =	rddreg [dreg:$0x1]  }
0x3: {  	s8 =	rddreg [dreg:$0x2]  }
0x4: {  	s7 =	rddreg [dreg:$0x3]  }
0x5: {  	s5 =	rddreg [dreg:$0x4]  }
0x6: {  	s0 =	rddreg [dreg:$0x5];
	s4 =	simm.s32 $0x0;
	s6 =	srdreg.scid  }
0x7: {  	s3 =	stileid.u32;
	s14 =	simm.s32 $0x4100;
	s15 =	simm.s32 $0x1  }
0x8: {  	s16 =	simm.s32 $0x2;
	s17 =	simm.s32 $0x0;
	[smem:$0x7FF] =	sst s4  }
0x9: {  	s9 =	sand.u32 $0x1, s6;
	s28 =	sshll.u32 s3, $0xC;
	p0 =	slt.u32 s3, $0x2  }
0xa: {  	s12 =	sshll.u32 s3, $0x8;
	_ =	strace $0x80000047;
	s10 =	ssub.s32 $0x2, s9  }
0xb: {  	s11 =	sadd.s32 s28, s5;
	s5 =	simm.s32 $0x4F;
	s13 =	sshll.u32 s9, $0x7  }
0xc: {  	s9 =	sshll.u32 s9, $0xB;
	s29 =	sshrl.u32 s10, $0x1;
	s5 =	simm.s32 @!p0 $0x4E  }
0xd: {  	s30 =	sor.u32 s13, s12;
	s31 =	sadd.s32 s9, s11;
	s11 =	simm.s32 $0x3  }
0xe: {  	s12 =	simm.s32 $0x80;
	s13 =	simm.s32 $0x100;
	s6 =	ssub.s32 s10, s29  }
0xf: {  	s10 =	sshrl.u32 s30, $0x3;
	s9 =	sadd.s32 $0x53C00, s31;
	s6 =	smax.u32 s6, $0x1  }
0x10: {  	s7 =	sadd.s32 s10, s7;
	s8 =	sadd.s32 s10, s8;
	s10 =	sadd.s32 $0x535C00, s31  }
.LBB2_1:
0x11: {  	[tilespmem:s4], [sflag:$0x3] =	stream.linear.gather [hbm4b:s8+s4], $0x80, $0x38;
	[tilespmem:$0x8100] =	vst v63  }
0x12: {  	_ =	swait.ge [sflag:s11], $0x80  }
0x13: {  	[sflag:s11] =	ssyncset.done $0x0  }
0x14: {  	[sflag:s11] =	ssyncadd.s32 $0xFFFFFF80  }
0x15: {  	[tilespmem:s12], [sflag:$0x3] =	stream.linear.gather [hbm4b:s7+s4], $0x80, $0x38;
	[tilespmem:$0x8100] =	vst v63  }
0x16: {  	_ =	swait.ge [sflag:s11], $0x80  }
0x17: {  	[sflag:s11] =	ssyncset.done $0x0  }
0x18: {  	[sflag:s11] =	ssyncadd.s32 $0xFFFFFF80  }
0x19: {  	[tilespmem:s13], [sflag:$0x1] =	stream.indirect.gather [hbm4b:s1+s12], $0x80, s4, s12, $0xb8;
	[tilespmem:$0x8100] =	vst v63  }
0x1a: {  	_ = 	snop  }
0x1b: {  	[tilespmem:s14], [sflag:$0x2] =	stream.indirect.gather [hbm4b:s2+s12], $0x80, s12, s12, $0xb8;
	[tilespmem:$0x8100] =	vst v63  }
0x1c: {  	_ =	swait.ge [sflag:s15], $0x4000  }
0x1d: {  	[sflag:s15] =	ssyncset.done $0x0  }
0x1e: {  	[sflag:s15] =	ssyncadd.s32 $0xFFFFC000  }
0x1f: {  	_ =	swait.ge [sflag:s16], $0x4000  }
0x20: {  	[sflag:s16] =	ssyncset.done $0x0  }
0x21: {  	[sflag:s16] =	ssyncadd.s32 $0xFFFFC000  }
0x22: {  	[hbm4b:s9+s4] =	stream.linear.scatter [tilespmem:s13], [sflag:$0x3], $0x4000, $0x38;
	[tilespmem:$0x8100] =	vst v63  }
0x23: {  	p0 =	sne.s32 s5, $0x1;
	_ =	swait.ge [sflag:s11], $0x4000  }
.Ltmp0:
0x24: {  	[sflag:s11] =	ssyncset.done $0x0;
	(pc) =	sbr.rel @!p0 .LBB2_3-.Ltmp0, $4  }
0x25: {  	s18 =	sadd.s32 $0xFFFFFFFF, s5;
	[sflag:s11] =	ssyncadd.s32 $0xFFFFC000  }
0x26: {  	[hbm4b:s10+s4] =	stream.linear.scatter [tilespmem:s14], [sflag:$0x3], $0x4000, $0x38;
	[tilespmem:$0x8100] =	vst v63  }
0x27: {  	s19 =	sadd.s32 $0x10000, s9;
	s20 =	sadd.s32 $0x10000, s10;
	_ =	swait.ge [sflag:s11], $0x4000  }
0x28: {  	s21 =	smov.u32 s7;
	s22 =	smov.u32 s8;
	[sflag:s11] =	ssyncset.done $0x0  }
.LBB2_2:
0x29: {  	[sflag:s11] =	ssyncadd.s32 $0xFFFFC000;
	s21 =	sadd.s32 $0x200, s21;
	s22 =	sadd.s32 $0x200, s22  }
0x2a: {  	[tilespmem:s4], [sflag:$0x3] =	stream.linear.gather [hbm4b:s22+s4], $0x80, $0x38;
	[tilespmem:$0x8100] =	vst v63  }
0x2b: {  	p0 =	sne.s32 s18, $0x1;
	s18 =	sadd.s32 $0xFFFFFFFF, s18;
	_ =	swait.ge [sflag:s11], $0x80  }
0x2c: {  	[sflag:s11] =	ssyncset.done $0x0  }
0x2d: {  	[sflag:s11] =	ssyncadd.s32 $0xFFFFFF80  }
0x2e: {  	[tilespmem:s12], [sflag:$0x3] =	stream.linear.gather [hbm4b:s21+s4], $0x80, $0x38;
	[tilespmem:$0x8100] =	vst v63  }
0x2f: {  	_ =	swait.ge [sflag:s11], $0x80  }
0x30: {  	[sflag:s11] =	ssyncset.done $0x0  }
0x31: {  	[sflag:s11] =	ssyncadd.s32 $0xFFFFFF80  }
0x32: {  	[tilespmem:s13], [sflag:$0x1] =	stream.indirect.gather [hbm4b:s1+s12], $0x80, s4, s12, $0xb8;
	[tilespmem:$0x8100] =	vst v63  }
0x33: {  	_ = 	snop  }
0x34: {  	[tilespmem:s14], [sflag:$0x2] =	stream.indirect.gather [hbm4b:s2+s12], $0x80, s12, s12, $0xb8;
	[tilespmem:$0x8100] =	vst v63  }
0x35: {  	_ =	swait.ge [sflag:s15], $0x4000  }
0x36: {  	[sflag:s15] =	ssyncset.done $0x0  }
0x37: {  	[sflag:s15] =	ssyncadd.s32 $0xFFFFC000  }
0x38: {  	_ =	swait.ge [sflag:s16], $0x4000  }
0x39: {  	[sflag:s16] =	ssyncset.done $0x0  }
0x3a: {  	[sflag:s16] =	ssyncadd.s32 $0xFFFFC000  }
0x3b: {  	[hbm4b:s19+s4] =	stream.linear.scatter [tilespmem:s13], [sflag:$0x3], $0x4000, $0x38;
	[tilespmem:$0x8100] =	vst v63  }
0x3c: {  	_ =	swait.ge [sflag:s11], $0x4000  }
.Ltmp1:
0x3d: {  	[sflag:s11] =	ssyncset.done $0x0;
	(pc) =	sbr.rel @p0 .LBB2_2-.Ltmp1, $4  }
0x3e: {  	[sflag:s11] =	ssyncadd.s32 $0xFFFFC000  }
0x3f: {  	[hbm4b:s20+s4] =	stream.linear.scatter [tilespmem:s14], [sflag:$0x3], $0x4000, $0x38;
	[tilespmem:$0x8100] =	vst v63  }
0x40: {  	_ =	swait.ge [sflag:s11], $0x4000  }
0x41: {  	s19 =	sadd.s32 $0x10000, s19;
	s20 =	sadd.s32 $0x10000, s20;
	[sflag:s11] =	ssyncset.done $0x0  }
.LBB2_3:
0x42: {  	s17 =	sadd.s32 $0x1, s17  }
0x43: {  	p0 =	sne.s32 s17, s6  }
.Ltmp2:
0x44: {  	_ = 	snop;
	(pc) =	sbr.rel @p0 .LBB2_1-.Ltmp2, $2  }
0x45: {  	_ =	sdelay $0x2  }
0x46: {  	[sflag:s11] =	ssyncadd.s32 $0xFFFFC000  }
0x47: {  	_ =	sfence.sel $0x180000  }
0x48: {  	[bflag:$0x0] =	sbarrier.arrive $0xFFFF  }
0x49: {  	p0 =	sne.s32 s3, $0x0;
	_ =	strace $0x90000047  }
0x4a: {  	s0 =	sadd.s32 @!p0 $0x100000, s0;
	[bflag:$0x2] =	sbarrier.arrive $0xFFFF  }
0x4b: {  	[sflag:s0] =	ssyncadd.tile.s32 @!p0 $0x1;
	_ =	shalt  }
.Lfunc_end2:
_tile_overlayer_lowered:
.L_overlay_start_2:
0x4c: {  	(tag) =	ssettag $0x2  }
0x4d: {  	s0 =	rddreg [dreg:$0x0];
	s2 =	stileid.u32  }
0x4e: {  	s1 =	rddreg [dreg:$0x1];
	p0 =	sne.s32 s2, $0x0  }
0x4f: {  	s3 =	rddreg [dreg:$0x2];
	[bflag:$0x3] =	sbarrier.arrive $0xFFFF;
	s2 =	simm.s32 @!p0 $0x1C03  }
0x50: {  	[timem:s3], [sflag:s2] =	dma.local @!p0 [hbm:s0], s1  }
0x51: {  	s0 =	simm.s32 @!p0 $0x3  }
0x52: {  	_ =	swait.ge @!p0 [sflag:s0], s1  }
0x53: {  	s1 =	ssub.s32 @!p0 $0x0, s1;
	[sflag:s0] =	ssyncset.done @!p0 $0x0  }
0x54: {  	[sflag:s0] =	ssyncadd.s32 @!p0 s1  }
0x55: {  	[bflag:$0x3] =	sbarrier.arrive $0xFFFF  }
0x56: {  	_ =	shalt  }

</sc_bundles>
